<compile_context>
chip_gen: v7x
topology: tpu7x:2x2x1
jax: 0.10.2.dev20260603
libtpu: 0.0.44.dev20260713+nightly
codegen_flags: <defaults>
</compile_context>

<pallas_src>
import functools

import jax
import jax.numpy as jnp
from jax import lax
from jax.experimental import pallas as pl
from jax.experimental.pallas import tpu as pltpu
from jax.experimental.pallas import tpu_sc as plsc

N_NODES = 10000
NPAD = 10240
N_EDGES = 320000
D = 128

NC = 2
NS = 16
NW = NC * NS
EPW = N_EDGES // NW
K = 128
CPT = 80
E_PAD = NW * CPT * K
RPT = NPAD // NS
LAST_RPT = N_NODES - (NS - 1) * RPT


def _agg_body(h_hbm, e_hbm, zero_hbm, out_hbm,
              ei0, ei1, ei2, ei3, rows0, rows1, acc_sh,
              gs0, gs1, es0, es1, es2, es3, ss0, ss1):
    c = lax.axis_index("c")
    s = lax.axis_index("s")
    wid = s * NC + c
    row0 = s * RPT

    @pl.when(c == 0)
    def _():
        @pl.when(s < NS - 1)
        def _():
            pltpu.sync_copy(h_hbm.at[pl.ds(row0, RPT)],
                            acc_sh.at[pl.ds(row0, RPT)])

        @pl.when(s == NS - 1)
        def _():
            pltpu.sync_copy(h_hbm.at[pl.ds(row0, LAST_RPT)],
                            acc_sh.at[pl.ds(row0, LAST_RPT)])

    @pl.when(c != 0)
    def _():
        pltpu.sync_copy(zero_hbm.at[pl.ds(row0, RPT)],
                        acc_sh.at[pl.ds(row0, RPT)])

    eidx = (ei0, ei1, ei2, ei3)
    esem = (es0, es1, es2, es3)
    rows = (rows0, rows1)
    gsem = (gs0, gs1)
    ssem = (ss0, ss1)
    my_e = e_hbm.at[wid]

    pltpu.sync_copy(my_e.at[0], eidx[0])
    pltpu.async_copy(h_hbm.at[eidx[0].at[0]], rows[0], gsem[0])
    pltpu.async_copy(my_e.at[1], eidx[1], esem[1])
    plsc.subcore_barrier()

    def group(g, carry):
        for b4 in range(4):
            i = g * 4 + b4
            b = b4 % 2
            o = 1 - b

            pltpu.make_async_copy(
                h_hbm.at[eidx[b4].at[0]], rows[b], gsem[b]).wait()
            pltpu.async_copy(rows[b], acc_sh.at[eidx[b4].at[1]],
                             ssem[b], add=True)

            @pl.when(i >= 1)
            def _():
                pltpu.make_async_copy(
                    rows[o], acc_sh.at[eidx[(b4 - 1) % 4].at[1]],
                    ssem[o]).wait()

            @pl.when(i + 1 < CPT)
            def _():
                pltpu.make_async_copy(my_e.at[i + 1], eidx[(b4 + 1) % 4],
                                      esem[(b4 + 1) % 4]).wait()
                pltpu.async_copy(h_hbm.at[eidx[(b4 + 1) % 4].at[0]],
                                 rows[o], gsem[o])

            @pl.when(i + 2 < CPT)
            def _():
                pltpu.async_copy(my_e.at[i + 2], eidx[(b4 + 2) % 4],
                                 esem[(b4 + 2) % 4])
        return carry

    lax.fori_loop(0, CPT // 4, group, 0)
    pltpu.make_async_copy(
        rows[(CPT - 1) % 2], acc_sh.at[eidx[(CPT - 1) % 4].at[1]],
        ssem[(CPT - 1) % 2]).wait()
    plsc.subcore_barrier()
    pltpu.sync_copy(acc_sh.at[pl.ds(row0, RPT)],
                    out_hbm.at[c].at[pl.ds(row0, RPT)])


_gin_agg = functools.partial(
    pl.kernel,
    out_type=jax.ShapeDtypeStruct((NC, NPAD, D), jnp.float32),
    mesh=plsc.VectorSubcoreMesh(core_axis_name="c", subcore_axis_name="s",
                                num_cores=NC, num_subcores=NS),
    scratch_types=[
        pltpu.VMEM((2, K), jnp.int32),
        pltpu.VMEM((2, K), jnp.int32),
        pltpu.VMEM((2, K), jnp.int32),
        pltpu.VMEM((2, K), jnp.int32),
        pltpu.VMEM((K, D), jnp.float32),
        pltpu.VMEM((K, D), jnp.float32),
        pltpu.VMEM_SHARED((NPAD, D), jnp.float32),
        pltpu.SemaphoreType.DMA,
        pltpu.SemaphoreType.DMA,
        pltpu.SemaphoreType.DMA,
        pltpu.SemaphoreType.DMA,
        pltpu.SemaphoreType.DMA,
        pltpu.SemaphoreType.DMA,
        pltpu.SemaphoreType.DMA,
        pltpu.SemaphoreType.DMA,
    ],
)(_agg_body)


R = 2000


def _elu(x):
    return jnp.where(x > 0, x, jnp.exp(jnp.minimum(x, 0.0)) - 1.0)


def _mlp_mid_body(p_ref, W1_ref, b1_ref, W2_ref, b2_ref, out_ref):
    z = p_ref[0] + p_ref[1]
    z = jnp.maximum(
        jnp.dot(z, W1_ref[...], preferred_element_type=jnp.float32)
        + b1_ref[...], 0.0)
    h = jnp.dot(z, W2_ref[...], preferred_element_type=jnp.float32) + b2_ref[...]
    out_ref[...] = _elu(h)


def _mlp_final_body(p_ref, W1_ref, b1_ref, W2_ref, b2_ref,
                    lw_ref, lb_ref, out_ref):
    z = p_ref[0] + p_ref[1]
    z = jnp.maximum(
        jnp.dot(z, W1_ref[...], preferred_element_type=jnp.float32)
        + b1_ref[...], 0.0)
    h = jnp.dot(z, W2_ref[...], preferred_element_type=jnp.float32) + b2_ref[...]
    h = _elu(h)
    o = jnp.dot(h, lw_ref[...], preferred_element_type=jnp.float32) + lb_ref[...]
    out_ref[...] = 1.0 / (1.0 + jnp.exp(-o))


_P_SPEC = pl.BlockSpec((NC, R, D), lambda i: (0, i, 0))
_W_SPEC = pl.BlockSpec((D, D), lambda i: (0, 0))
_B_SPEC = pl.BlockSpec((1, D), lambda i: (0, 0))

_mlp_mid = pl.pallas_call(
    _mlp_mid_body,
    grid=(N_NODES // R,),
    in_specs=[_P_SPEC, _W_SPEC, _B_SPEC, _W_SPEC, _B_SPEC],
    out_specs=pl.BlockSpec((R, D), lambda i: (i, 0)),
    out_shape=jax.ShapeDtypeStruct((N_NODES, D), jnp.float32),
)

_mlp_final = pl.pallas_call(
    _mlp_final_body,
    grid=(N_NODES // R,),
    in_specs=[_P_SPEC, _W_SPEC, _B_SPEC, _W_SPEC, _B_SPEC,
              pl.BlockSpec((D, 1), lambda i: (0, 0)),
              pl.BlockSpec((1, 1), lambda i: (0, 0))],
    out_specs=pl.BlockSpec((R, 1), lambda i: (i, 0)),
    out_shape=jax.ShapeDtypeStruct((N_NODES, 1), jnp.float32),
)


def kernel(x, edge_index, conv0_W1, conv0_b1, conv0_W2, conv0_b2,
           conv1_W1, conv1_b1, conv1_W2, conv1_b2, lin_W, lin_b):
    pad = E_PAD - N_EDGES
    pad_idx = jax.lax.iota(jnp.int32, pad)
    src_e = jnp.concatenate(
        [edge_index[0].astype(jnp.int32), pad_idx % N_NODES]
    ).reshape(NW, CPT, K)
    dst_e = jnp.concatenate(
        [edge_index[1].astype(jnp.int32),
         N_NODES + pad_idx % (NPAD - N_NODES)]
    ).reshape(NW, CPT, K)
    edges = jnp.stack([src_e, dst_e], axis=2)
    zeros = jnp.zeros((NPAD, D), jnp.float32)

    p = _gin_agg(x, edges, zeros)
    h1 = _mlp_mid(p, conv0_W1, conv0_b1.reshape(1, D),
                  conv0_W2, conv0_b2.reshape(1, D))
    p = _gin_agg(h1, edges, zeros)
    out = _mlp_final(p, conv1_W1, conv1_b1.reshape(1, D),
                     conv1_W2, conv1_b2.reshape(1, D),
                     lin_W, lin_b.reshape(1, 1))
    return out.reshape(N_NODES)

# --- scband reference (transcript-rebuilt; emitter-appended) ---
"""Pipeline reference for scband-ginmodel-82179904242305 (READ-ONLY COPY).

The authoritative reference and input builder live on the scoring server;
editing this copy changes nothing except your own understanding.
"""

import jax, jax.numpy as jnp
import numpy as np

N_NODES = 10000
N_EDGES = 320000
D_IN = 128
D_HID = 128
D_OUT = 1


def setup_inputs(seed: int = 0) -> dict:
    key = jax.random.key(seed)
    ks = jax.random.split(key, 16)
    x = jax.random.normal(ks[0], (N_NODES, D_IN), dtype=jnp.float32)
    edge_index = jax.random.randint(ks[1], (2, N_EDGES), 0, N_NODES, dtype=jnp.int64)
    s = 0.05
    conv0_W1 = s * jax.random.normal(ks[2], (D_IN, D_HID), dtype=jnp.float32)
    conv0_b1 = jnp.zeros((D_HID,), dtype=jnp.float32)
    conv0_W2 = s * jax.random.normal(ks[3], (D_HID, D_HID), dtype=jnp.float32)
    conv0_b2 = jnp.zeros((D_HID,), dtype=jnp.float32)
    conv1_W1 = s * jax.random.normal(ks[4], (D_HID, D_HID), dtype=jnp.float32)
    conv1_b1 = jnp.zeros((D_HID,), dtype=jnp.float32)
    conv1_W2 = s * jax.random.normal(ks[5], (D_HID, D_HID), dtype=jnp.float32)
    conv1_b2 = jnp.zeros((D_HID,), dtype=jnp.float32)
    lin_W = s * jax.random.normal(ks[6], (D_HID, D_OUT), dtype=jnp.float32)
    lin_b = jnp.zeros((D_OUT,), dtype=jnp.float32)
    return {
        "x": x, "edge_index": edge_index,
        "conv0_W1": conv0_W1, "conv0_b1": conv0_b1, "conv0_W2": conv0_W2, "conv0_b2": conv0_b2,
        "conv1_W1": conv1_W1, "conv1_b1": conv1_b1, "conv1_W2": conv1_W2, "conv1_b2": conv1_b2,
        "lin_W": lin_W, "lin_b": lin_b,
    }


def _gin_conv(h, src, dst, W1, b1, W2, b2):
    # GINConv with eps=0: MLP((1+eps)*x + sum_{j in N(i)} x_j)
    msg = jnp.take(h, src, axis=0)
    agg = jax.ops.segment_sum(msg, dst, num_segments=N_NODES)
    z = h + agg
    z = jnp.maximum(z @ W1 + b1, 0.0)
    return z @ W2 + b2


def reference(x, edge_index, conv0_W1, conv0_b1, conv0_W2, conv0_b2,
              conv1_W1, conv1_b1, conv1_W2, conv1_b2, lin_W, lin_b):
    src = edge_index[0]
    dst = edge_index[1]
    h = _gin_conv(x, src, dst, conv0_W1, conv0_b1, conv0_W2, conv0_b2)
    h = jax.nn.elu(h)
    # dropout is identity in eval mode
    h = _gin_conv(h, src, dst, conv1_W1, conv1_b1, conv1_W2, conv1_b2)
    h = jax.nn.elu(h)
    out = h @ lin_W + lin_b
    return jnp.squeeze(jax.nn.sigmoid(out), axis=-1)

if __name__ == "__main__":
    import jax
    _d = setup_inputs()
    print(jax.jit(kernel)(*tuple(_d.values())))

</pallas_src>

<mosaic_0001>
#map = affine_map<(d0, d1) -> (0, 0)>
#map1 = affine_map<(d0, d1) -> (0, 0, 0, 0)>
#map2 = affine_map<(d0, d1) -> (0, 0, 0)>
module attributes {stable_mosaic.version = 14 : i64} {
  func.func @_agg_body(%arg0: i32, %arg1: i32, %arg2: memref<10000x128xf32, #tpu.memory_space<hbm>>, %arg3: memref<32x80x2x128xi32, #tpu.memory_space<hbm>>, %arg4: memref<10240x128xf32, #tpu.memory_space<hbm>>, %arg5: memref<2x10240x128xf32, #tpu.memory_space<hbm>>, %arg6: memref<2x128xi32, #tpu.memory_space<vmem>>, %arg7: memref<2x128xi32, #tpu.memory_space<vmem>>, %arg8: memref<2x128xi32, #tpu.memory_space<vmem>>, %arg9: memref<2x128xi32, #tpu.memory_space<vmem>>, %arg10: memref<128x128xf32, #tpu.memory_space<vmem>>, %arg11: memref<128x128xf32, #tpu.memory_space<vmem>>, %arg12: memref<10240x128xf32, #tpu.memory_space<vmem_shared>>, %arg13: memref<!tpu.dma_semaphore, #tpu.memory_space<semaphore_mem>>, %arg14: memref<!tpu.dma_semaphore, #tpu.memory_space<semaphore_mem>>, %arg15: memref<!tpu.dma_semaphore, #tpu.memory_space<semaphore_mem>>, %arg16: memref<!tpu.dma_semaphore, #tpu.memory_space<semaphore_mem>>, %arg17: memref<!tpu.dma_semaphore, #tpu.memory_space<semaphore_mem>>, %arg18: memref<!tpu.dma_semaphore, #tpu.memory_space<semaphore_mem>>, %arg19: memref<!tpu.dma_semaphore, #tpu.memory_space<semaphore_mem>>, %arg20: memref<!tpu.dma_semaphore, #tpu.memory_space<semaphore_mem>>) attributes {dimension_semantics = [#tpu.dimension_semantics<core_parallel>, #tpu.dimension_semantics<subcore_parallel>], iteration_bounds = array<i64: 2, 16>, scalar_prefetch = 0 : i64, scratch_operands = 15 : i64, tpu.core_type = #tpu.core_type<sc_vector_subcore>, window_params = [{transform_indices = #map}, {transform_indices = #map1}, {transform_indices = #map}, {transform_indices = #map2}]} {
    %mul3A = arith.constant 2 : i32
    %mul3A_0 = arith.muli %arg1, %mul3A : i32
    %add3A = arith.addi %mul3A_0, %arg0 : i32
    %mul3A_1 = arith.constant 640 : i32
    %mul3A_2 = arith.muli %arg1, %mul3A_1 : i32
    %eq3A = arith.constant 0 : i32
    %eq3A_3 = arith.cmpi eq, %arg0, %eq3A : i32
    %convert_element_type3A = arith.extui %eq3A_3 : i1 to i32
    %cond3A = arith.constant 0 : i32
    %cond3A_4 = arith.cmpi ne, %convert_element_type3A, %cond3A : i32
    scf.if %cond3A_4 {
      %lt3A = arith.constant 15 : i32
      %lt3A_46 = arith.cmpi slt, %arg1, %lt3A : i32
      %convert_element_type3A_47 = arith.extui %lt3A_46 : i1 to i32
      %cond3A_48 = arith.constant 0 : i32
      %cond3A_49 = arith.cmpi ne, %convert_element_type3A_47, %cond3A_48 : i32
      scf.if %cond3A_49 {
        "tpu.region"() ({
          %run_scoped3A_55 = tpu.sem_alloc : memref<!tpu.dma_semaphore, #tpu.memory_space<semaphore_mem>>
          %dma_start3A_56 = arith.constant 0 : i32
          %dma_start3A_57 = tpu.memref_slice %arg12[%mul3A_2, %dma_start3A_56] : memref<10240x128xf32, #tpu.memory_space<vmem_shared>> -> memref<640x128xf32, #tpu.memory_space<vmem_shared>>
          %dma_start3A_58 = arith.constant 0 : i32
          %dma_start3A_59 = tpu.memref_slice %arg2[%mul3A_2, %dma_start3A_58] : memref<10000x128xf32, #tpu.memory_space<hbm>> -> memref<640x128xf32, #tpu.memory_space<hbm>>
          tpu.enqueue_dma source(%dma_start3A_59 : memref<640x128xf32, #tpu.memory_space<hbm>>) target(%dma_start3A_57 : memref<640x128xf32, #tpu.memory_space<vmem_shared>>) target_semaphore(%run_scoped3A_55 : memref<!tpu.dma_semaphore, #tpu.memory_space<semaphore_mem>>)
          %dma_wait3A_60 = arith.constant 0 : i32
          %dma_wait3A_61 = tpu.memref_slice %arg12[%mul3A_2, %dma_wait3A_60] : memref<10240x128xf32, #tpu.memory_space<vmem_shared>> -> memref<640x128xf32, #tpu.memory_space<vmem_shared>>
          %dma_wait3A_62 = arith.constant 0 : i32
          %dma_wait3A_63 = tpu.memref_slice %arg2[%mul3A_2, %dma_wait3A_62] : memref<10000x128xf32, #tpu.memory_space<hbm>> -> memref<640x128xf32, #tpu.memory_space<hbm>>
          tpu.wait_dma2 semaphore(%run_scoped3A_55 : memref<!tpu.dma_semaphore, #tpu.memory_space<semaphore_mem>>) src(%dma_wait3A_63 : memref<640x128xf32, #tpu.memory_space<hbm>>) dst(%dma_wait3A_61 : memref<640x128xf32, #tpu.memory_space<vmem_shared>>)
          tpu.yield
        }) : () -> ()
      } else {
      }
      %eq3A_50 = arith.constant 15 : i32
      %eq3A_51 = arith.cmpi eq, %arg1, %eq3A_50 : i32
      %convert_element_type3A_52 = arith.extui %eq3A_51 : i1 to i32
      %cond3A_53 = arith.constant 0 : i32
      %cond3A_54 = arith.cmpi ne, %convert_element_type3A_52, %cond3A_53 : i32
      scf.if %cond3A_54 {
        "tpu.region"() ({
          %run_scoped3A_55 = tpu.sem_alloc : memref<!tpu.dma_semaphore, #tpu.memory_space<semaphore_mem>>
          %dma_start3A_56 = arith.constant 0 : i32
          %dma_start3A_57 = tpu.memref_slice %arg12[%mul3A_2, %dma_start3A_56] : memref<10240x128xf32, #tpu.memory_space<vmem_shared>> -> memref<400x128xf32, #tpu.memory_space<vmem_shared>>
          %dma_start3A_58 = arith.constant 0 : i32
          %dma_start3A_59 = tpu.memref_slice %arg2[%mul3A_2, %dma_start3A_58] : memref<10000x128xf32, #tpu.memory_space<hbm>> -> memref<400x128xf32, #tpu.memory_space<hbm>>
          tpu.enqueue_dma source(%dma_start3A_59 : memref<400x128xf32, #tpu.memory_space<hbm>>) target(%dma_start3A_57 : memref<400x128xf32, #tpu.memory_space<vmem_shared>>) target_semaphore(%run_scoped3A_55 : memref<!tpu.dma_semaphore, #tpu.memory_space<semaphore_mem>>)
          %dma_wait3A_60 = arith.constant 0 : i32
          %dma_wait3A_61 = tpu.memref_slice %arg12[%mul3A_2, %dma_wait3A_60] : memref<10240x128xf32, #tpu.memory_space<vmem_shared>> -> memref<400x128xf32, #tpu.memory_space<vmem_shared>>
          %dma_wait3A_62 = arith.constant 0 : i32
          %dma_wait3A_63 = tpu.memref_slice %arg2[%mul3A_2, %dma_wait3A_62] : memref<10000x128xf32, #tpu.memory_space<hbm>> -> memref<400x128xf32, #tpu.memory_space<hbm>>
          tpu.wait_dma2 semaphore(%run_scoped3A_55 : memref<!tpu.dma_semaphore, #tpu.memory_space<semaphore_mem>>) src(%dma_wait3A_63 : memref<400x128xf32, #tpu.memory_space<hbm>>) dst(%dma_wait3A_61 : memref<400x128xf32, #tpu.memory_space<vmem_shared>>)
          tpu.yield
        }) : () -> ()
      } else {
      }
    } else {
    }
    %ne3A = arith.constant 0 : i32
    %ne3A_5 = arith.cmpi ne, %arg0, %ne3A : i32
    %convert_element_type3A_6 = arith.extui %ne3A_5 : i1 to i32
    %cond3A_7 = arith.constant 0 : i32
    %cond3A_8 = arith.cmpi ne, %convert_element_type3A_6, %cond3A_7 : i32
    scf.if %cond3A_8 {
      "tpu.region"() ({
        %run_scoped3A_46 = tpu.sem_alloc : memref<!tpu.dma_semaphore, #tpu.memory_space<semaphore_mem>>
        %dma_start3A_47 = arith.constant 0 : i32
        %dma_start3A_48 = tpu.memref_slice %arg12[%mul3A_2, %dma_start3A_47] : memref<10240x128xf32, #tpu.memory_space<vmem_shared>> -> memref<640x128xf32, #tpu.memory_space<vmem_shared>>
        %dma_start3A_49 = arith.constant 0 : i32
        %dma_start3A_50 = tpu.memref_slice %arg4[%mul3A_2, %dma_start3A_49] : memref<10240x128xf32, #tpu.memory_space<hbm>> -> memref<640x128xf32, #tpu.memory_space<hbm>>
        tpu.enqueue_dma source(%dma_start3A_50 : memref<640x128xf32, #tpu.memory_space<hbm>>) target(%dma_start3A_48 : memref<640x128xf32, #tpu.memory_space<vmem_shared>>) target_semaphore(%run_scoped3A_46 : memref<!tpu.dma_semaphore, #tpu.memory_space<semaphore_mem>>)
        %dma_wait3A_51 = arith.constant 0 : i32
        %dma_wait3A_52 = tpu.memref_slice %arg12[%mul3A_2, %dma_wait3A_51] : memref<10240x128xf32, #tpu.memory_space<vmem_shared>> -> memref<640x128xf32, #tpu.memory_space<vmem_shared>>
        %dma_wait3A_53 = arith.constant 0 : i32
        %dma_wait3A_54 = tpu.memref_slice %arg4[%mul3A_2, %dma_wait3A_53] : memref<10240x128xf32, #tpu.memory_space<hbm>> -> memref<640x128xf32, #tpu.memory_space<hbm>>
        tpu.wait_dma2 semaphore(%run_scoped3A_46 : memref<!tpu.dma_semaphore, #tpu.memory_space<semaphore_mem>>) src(%dma_wait3A_54 : memref<640x128xf32, #tpu.memory_space<hbm>>) dst(%dma_wait3A_52 : memref<640x128xf32, #tpu.memory_space<vmem_shared>>)
        tpu.yield
      }) : () -> ()
    } else {
    }
    %run_scoped3A = arith.constant 0 : i32
    "tpu.region"() ({
      %run_scoped3A_46 = tpu.sem_alloc : memref<!tpu.dma_semaphore, #tpu.memory_space<semaphore_mem>>
      %dma_start3A_47 = arith.constant 0 : i32
      %dma_start3A_48 = arith.constant 0 : i32
      %dma_start3A_49 = arith.constant 0 : i32
      %dma_start3A_50 = tpu.memref_slice %arg3[%add3A, %dma_start3A_47, %dma_start3A_48, %dma_start3A_49] : memref<32x80x2x128xi32, #tpu.memory_space<hbm>> -> memref<1x80x2x128xi32, #tpu.memory_space<hbm>>
      %dma_start3A_51 = tpu.memref_squeeze %dma_start3A_50 : memref<1x80x2x128xi32, #tpu.memory_space<hbm>> -> memref<80x2x128xi32, #tpu.memory_space<hbm>>
      %dma_start3A_52 = arith.constant 0 : i32
      %dma_start3A_53 = arith.constant 0 : i32
      %dma_start3A_54 = tpu.memref_slice %dma_start3A_51[%run_scoped3A, %dma_start3A_52, %dma_start3A_53] : memref<80x2x128xi32, #tpu.memory_space<hbm>> -> memref<1x2x128xi32, #tpu.memory_space<hbm>>
      %dma_start3A_55 = tpu.memref_squeeze %dma_start3A_54 : memref<1x2x128xi32, #tpu.memory_space<hbm>> -> memref<2x128xi32, #tpu.memory_space<hbm>>
      %dma_start3A_56 = arith.constant 0 : i32
      %dma_start3A_57 = arith.constant 0 : i32
      %dma_start3A_58 = arith.constant 0 : i32
      %dma_start3A_59 = tpu.memref_slice %arg3[%add3A, %dma_start3A_56, %dma_start3A_57, %dma_start3A_58] : memref<32x80x2x128xi32, #tpu.memory_space<hbm>> -> memref<1x80x2x128xi32, #tpu.memory_space<hbm>>
      %dma_start3A_60 = tpu.memref_squeeze %dma_start3A_59 : memref<1x80x2x128xi32, #tpu.memory_space<hbm>> -> memref<80x2x128xi32, #tpu.memory_space<hbm>>
      %dma_start3A_61 = arith.constant 0 : i32
      %dma_start3A_62 = arith.constant 0 : i32
      %dma_start3A_63 = tpu.memref_slice %dma_start3A_60[%run_scoped3A, %dma_start3A_61, %dma_start3A_62] : memref<80x2x128xi32, #tpu.memory_space<hbm>> -> memref<1x2x128xi32, #tpu.memory_space<hbm>>
      %dma_start3A_64 = tpu.memref_squeeze %dma_start3A_63 : memref<1x2x128xi32, #tpu.memory_space<hbm>> -> memref<2x128xi32, #tpu.memory_space<hbm>>
      tpu.enqueue_dma source(%dma_start3A_64 : memref<2x128xi32, #tpu.memory_space<hbm>>) target(%arg6 : memref<2x128xi32, #tpu.memory_space<vmem>>) target_semaphore(%run_scoped3A_46 : memref<!tpu.dma_semaphore, #tpu.memory_space<semaphore_mem>>)
      %dma_wait3A_65 = arith.constant 0 : i32
      %dma_wait3A_66 = arith.constant 0 : i32
      %dma_wait3A_67 = arith.constant 0 : i32
      %dma_wait3A_68 = tpu.memref_slice %arg3[%add3A, %dma_wait3A_65, %dma_wait3A_66, %dma_wait3A_67] : memref<32x80x2x128xi32, #tpu.memory_space<hbm>> -> memref<1x80x2x128xi32, #tpu.memory_space<hbm>>
      %dma_wait3A_69 = tpu.memref_squeeze %dma_wait3A_68 : memref<1x80x2x128xi32, #tpu.memory_space<hbm>> -> memref<80x2x128xi32, #tpu.memory_space<hbm>>
      %dma_wait3A_70 = arith.constant 0 : i32
      %dma_wait3A_71 = arith.constant 0 : i32
      %dma_wait3A_72 = tpu.memref_slice %dma_wait3A_69[%run_scoped3A, %dma_wait3A_70, %dma_wait3A_71] : memref<80x2x128xi32, #tpu.memory_space<hbm>> -> memref<1x2x128xi32, #tpu.memory_space<hbm>>
      %dma_wait3A_73 = tpu.memref_squeeze %dma_wait3A_72 : memref<1x2x128xi32, #tpu.memory_space<hbm>> -> memref<2x128xi32, #tpu.memory_space<hbm>>
      %dma_wait3A_74 = arith.constant 0 : i32
      %dma_wait3A_75 = arith.constant 0 : i32
      %dma_wait3A_76 = arith.constant 0 : i32
      %dma_wait3A_77 = tpu.memref_slice %arg3[%add3A, %dma_wait3A_74, %dma_wait3A_75, %dma_wait3A_76] : memref<32x80x2x128xi32, #tpu.memory_space<hbm>> -> memref<1x80x2x128xi32, #tpu.memory_space<hbm>>
      %dma_wait3A_78 = tpu.memref_squeeze %dma_wait3A_77 : memref<1x80x2x128xi32, #tpu.memory_space<hbm>> -> memref<80x2x128xi32, #tpu.memory_space<hbm>>
      %dma_wait3A_79 = arith.constant 0 : i32
      %dma_wait3A_80 = arith.constant 0 : i32
      %dma_wait3A_81 = tpu.memref_slice %dma_wait3A_78[%run_scoped3A, %dma_wait3A_79, %dma_wait3A_80] : memref<80x2x128xi32, #tpu.memory_space<hbm>> -> memref<1x2x128xi32, #tpu.memory_space<hbm>>
      %dma_wait3A_82 = tpu.memref_squeeze %dma_wait3A_81 : memref<1x2x128xi32, #tpu.memory_space<hbm>> -> memref<2x128xi32, #tpu.memory_space<hbm>>
      tpu.wait_dma2 semaphore(%run_scoped3A_46 : memref<!tpu.dma_semaphore, #tpu.memory_space<semaphore_mem>>) src(%dma_wait3A_82 : memref<2x128xi32, #tpu.memory_space<hbm>>) dst(%arg6 : memref<2x128xi32, #tpu.memory_space<vmem>>)
      tpu.yield
    }) : () -> ()
    %dma_start3A = arith.constant 0 : i32
    %dma_start3A_9 = arith.constant 0 : i32
    %dma_start3A_10 = tpu.memref_slice %arg6[%dma_start3A, %dma_start3A_9] : memref<2x128xi32, #tpu.memory_space<vmem>> -> memref<1x128xi32, #tpu.memory_space<vmem>>
    %dma_start3A_11 = tpu.memref_squeeze %dma_start3A_10 : memref<1x128xi32, #tpu.memory_space<vmem>> -> memref<128xi32, #tpu.memory_space<vmem>>
    %dma_start3A_12 = arith.constant 0 : i32
    %dma_start3A_13 = arith.constant 0 : i32
    %dma_start3A_14 = tpu.memref_slice %arg2[%dma_start3A_12, %dma_start3A_13] : memref<10000x128xf32, #tpu.memory_space<hbm>> -> memref<10000x128xf32, #tpu.memory_space<hbm>>
    tpu.enqueue_indirect_dma source(%dma_start3A_14 : memref<10000x128xf32, #tpu.memory_space<hbm>>) target(%arg10 : memref<128x128xf32, #tpu.memory_space<vmem>>) offsets(%dma_start3A_11 : memref<128xi32, #tpu.memory_space<vmem>>) semaphore(%arg13 : memref<!tpu.dma_semaphore, #tpu.memory_space<semaphore_mem>>)
    %dma_start3A_15 = arith.constant 1 : i32
    %dma_start3A_16 = arith.constant 0 : i32
    %dma_start3A_17 = arith.constant 0 : i32
    %dma_start3A_18 = arith.constant 0 : i32
    %dma_start3A_19 = tpu.memref_slice %arg3[%add3A, %dma_start3A_16, %dma_start3A_17, %dma_start3A_18] : memref<32x80x2x128xi32, #tpu.memory_space<hbm>> -> memref<1x80x2x128xi32, #tpu.memory_space<hbm>>
    %dma_start3A_20 = tpu.memref_squeeze %dma_start3A_19 : memref<1x80x2x128xi32, #tpu.memory_space<hbm>> -> memref<80x2x128xi32, #tpu.memory_space<hbm>>
    %dma_start3A_21 = arith.constant 0 : i32
    %dma_start3A_22 = arith.constant 0 : i32
    %dma_start3A_23 = tpu.memref_slice %dma_start3A_20[%dma_start3A_15, %dma_start3A_21, %dma_start3A_22] : memref<80x2x128xi32, #tpu.memory_space<hbm>> -> memref<1x2x128xi32, #tpu.memory_space<hbm>>
    %dma_start3A_24 = tpu.memref_squeeze %dma_start3A_23 : memref<1x2x128xi32, #tpu.memory_space<hbm>> -> memref<2x128xi32, #tpu.memory_space<hbm>>
    %dma_start3A_25 = arith.constant 0 : i32
    %dma_start3A_26 = arith.constant 0 : i32
    %dma_start3A_27 = arith.constant 0 : i32
    %dma_start3A_28 = tpu.memref_slice %arg3[%add3A, %dma_start3A_25, %dma_start3A_26, %dma_start3A_27] : memref<32x80x2x128xi32, #tpu.memory_space<hbm>> -> memref<1x80x2x128xi32, #tpu.memory_space<hbm>>
    %dma_start3A_29 = tpu.memref_squeeze %dma_start3A_28 : memref<1x80x2x128xi32, #tpu.memory_space<hbm>> -> memref<80x2x128xi32, #tpu.memory_space<hbm>>
    %dma_start3A_30 = arith.constant 0 : i32
    %dma_start3A_31 = arith.constant 0 : i32
    %dma_start3A_32 = tpu.memref_slice %dma_start3A_29[%dma_start3A_15, %dma_start3A_30, %dma_start3A_31] : memref<80x2x128xi32, #tpu.memory_space<hbm>> -> memref<1x2x128xi32, #tpu.memory_space<hbm>>
    %dma_start3A_33 = tpu.memref_squeeze %dma_start3A_32 : memref<1x2x128xi32, #tpu.memory_space<hbm>> -> memref<2x128xi32, #tpu.memory_space<hbm>>
    tpu.enqueue_dma source(%dma_start3A_33 : memref<2x128xi32, #tpu.memory_space<hbm>>) target(%arg7 : memref<2x128xi32, #tpu.memory_space<vmem>>) target_semaphore(%arg16 : memref<!tpu.dma_semaphore, #tpu.memory_space<semaphore_mem>>)
    %barrier3A = arith.constant 0 : index
    tpu.barrier barrier_id(%barrier3A)
    %scan3A = arith.constant 0 : i32
    %scan3A_34 = arith.constant 0 : i32
    %scan3A_35 = arith.constant 20 : i32
    %scan3A_36 = arith.addi %scan3A_34, %scan3A_35 : i32
    %scan3A_37 = arith.constant 1 : i32
    scf.for %scan3A_46 = %scan3A_34 to %scan3A_36 step %scan3A_37  : i32 {
      %mul3A_47 = arith.constant 4 : i32
      %mul3A_48 = arith.muli %scan3A_46, %mul3A_47 : i32
      %add3A_49 = arith.constant 0 : i32
      %add3A_50 = arith.addi %mul3A_48, %add3A_49 : i32
      %dma_wait3A_51 = arith.constant 0 : i32
      %dma_wait3A_52 = arith.constant 0 : i32
      %dma_wait3A_53 = tpu.memref_slice %arg6[%dma_wait3A_51, %dma_wait3A_52] : memref<2x128xi32, #tpu.memory_space<vmem>> -> memref<1x128xi32, #tpu.memory_space<vmem>>
      %dma_wait3A_54 = tpu.memref_squeeze %dma_wait3A_53 : memref<1x128xi32, #tpu.memory_space<vmem>> -> memref<128xi32, #tpu.memory_space<vmem>>
      %dma_wait3A_55 = arith.constant 0 : i32
      %dma_wait3A_56 = arith.constant 0 : i32
      %dma_wait3A_57 = tpu.memref_slice %arg2[%dma_wait3A_55, %dma_wait3A_56] : memref<10000x128xf32, #tpu.memory_space<hbm>> -> memref<10000x128xf32, #tpu.memory_space<hbm>>
      tpu.wait_indirect_dma semaphore(%arg13 : memref<!tpu.dma_semaphore, #tpu.memory_space<semaphore_mem>>) src(%dma_wait3A_57 : memref<10000x128xf32, #tpu.memory_space<hbm>>) dst(%arg10 : memref<128x128xf32, #tpu.memory_space<vmem>>)
      %dma_start3A_58 = arith.constant 1 : i32
      %dma_start3A_59 = arith.constant 0 : i32
      %dma_start3A_60 = tpu.memref_slice %arg6[%dma_start3A_58, %dma_start3A_59] : memref<2x128xi32, #tpu.memory_space<vmem>> -> memref<1x128xi32, #tpu.memory_space<vmem>>
      %dma_start3A_61 = tpu.memref_squeeze %dma_start3A_60 : memref<1x128xi32, #tpu.memory_space<vmem>> -> memref<128xi32, #tpu.memory_space<vmem>>
      %dma_start3A_62 = arith.constant 0 : i32
      %dma_start3A_63 = arith.constant 0 : i32
      %dma_start3A_64 = tpu.memref_slice %arg12[%dma_start3A_62, %dma_start3A_63] : memref<10240x128xf32, #tpu.memory_space<vmem_shared>> -> memref<10240x128xf32, #tpu.memory_space<vmem_shared>>
      tpu.enqueue_indirect_dma source(%arg10 : memref<128x128xf32, #tpu.memory_space<vmem>>) target(%dma_start3A_64 : memref<10240x128xf32, #tpu.memory_space<vmem_shared>>) offsets(%dma_start3A_61 : memref<128xi32, #tpu.memory_space<vmem>>) semaphore(%arg19 : memref<!tpu.dma_semaphore, #tpu.memory_space<semaphore_mem>>) {add = true}
      %ge3A = arith.constant 1 : i32
      %ge3A_65 = arith.cmpi sge, %add3A_50, %ge3A : i32
      %convert_element_type3A_66 = arith.extui %ge3A_65 : i1 to i32
      %cond3A_67 = arith.constant 0 : i32
      %cond3A_68 = arith.cmpi ne, %convert_element_type3A_66, %cond3A_67 : i32
      scf.if %cond3A_68 {
        %dma_wait3A_193 = arith.constant 1 : i32
        %dma_wait3A_194 = arith.constant 0 : i32
        %dma_wait3A_195 = tpu.memref_slice %arg9[%dma_wait3A_193, %dma_wait3A_194] : memref<2x128xi32, #tpu.memory_space<vmem>> -> memref<1x128xi32, #tpu.memory_space<vmem>>
        %dma_wait3A_196 = tpu.memref_squeeze %dma_wait3A_195 : memref<1x128xi32, #tpu.memory_space<vmem>> -> memref<128xi32, #tpu.memory_space<vmem>>
        %dma_wait3A_197 = arith.constant 0 : i32
        %dma_wait3A_198 = arith.constant 0 : i32
        %dma_wait3A_199 = tpu.memref_slice %arg12[%dma_wait3A_197, %dma_wait3A_198] : memref<10240x128xf32, #tpu.memory_space<vmem_shared>> -> memref<10240x128xf32, #tpu.memory_space<vmem_shared>>
        tpu.wait_indirect_dma semaphore(%arg20 : memref<!tpu.dma_semaphore, #tpu.memory_space<semaphore_mem>>) src(%arg11 : memref<128x128xf32, #tpu.memory_space<vmem>>) dst(%dma_wait3A_199 : memref<10240x128xf32, #tpu.memory_space<vmem_shared>>)
      } else {
      }
      %add3A_69 = arith.constant 1 : i32
      %add3A_70 = arith.addi %add3A_50, %add3A_69 : i32
      %lt3A = arith.constant 80 : i32
      %lt3A_71 = arith.cmpi slt, %add3A_70, %lt3A : i32
      %convert_element_type3A_72 = arith.extui %lt3A_71 : i1 to i32
      %cond3A_73 = arith.constant 0 : i32
      %cond3A_74 = arith.cmpi ne, %convert_element_type3A_72, %cond3A_73 : i32
      scf.if %cond3A_74 {
        %add3A_193 = arith.constant 1 : i32
        %add3A_194 = arith.addi %add3A_50, %add3A_193 : i32
        %dma_wait3A_195 = arith.constant 0 : i32
        %dma_wait3A_196 = arith.constant 0 : i32
        %dma_wait3A_197 = arith.constant 0 : i32
        %dma_wait3A_198 = tpu.memref_slice %arg3[%add3A, %dma_wait3A_195, %dma_wait3A_196, %dma_wait3A_197] : memref<32x80x2x128xi32, #tpu.memory_space<hbm>> -> memref<1x80x2x128xi32, #tpu.memory_space<hbm>>
        %dma_wait3A_199 = tpu.memref_squeeze %dma_wait3A_198 : memref<1x80x2x128xi32, #tpu.memory_space<hbm>> -> memref<80x2x128xi32, #tpu.memory_space<hbm>>
        %dma_wait3A_200 = arith.constant 0 : i32
        %dma_wait3A_201 = arith.constant 0 : i32
        %dma_wait3A_202 = tpu.memref_slice %dma_wait3A_199[%add3A_194, %dma_wait3A_200, %dma_wait3A_201] : memref<80x2x128xi32, #tpu.memory_space<hbm>> -> memref<1x2x128xi32, #tpu.memory_space<hbm>>
        %dma_wait3A_203 = tpu.memref_squeeze %dma_wait3A_202 : memref<1x2x128xi32, #tpu.memory_space<hbm>> -> memref<2x128xi32, #tpu.memory_space<hbm>>
        %dma_wait3A_204 = arith.constant 0 : i32
        %dma_wait3A_205 = arith.constant 0 : i32
        %dma_wait3A_206 = arith.constant 0 : i32
        %dma_wait3A_207 = tpu.memref_slice %arg3[%add3A, %dma_wait3A_204, %dma_wait3A_205, %dma_wait3A_206] : memref<32x80x2x128xi32, #tpu.memory_space<hbm>> -> memref<1x80x2x128xi32, #tpu.memory_space<hbm>>
        %dma_wait3A_208 = tpu.memref_squeeze %dma_wait3A_207 : memref<1x80x2x128xi32, #tpu.memory_space<hbm>> -> memref<80x2x128xi32, #tpu.memory_space<hbm>>
        %dma_wait3A_209 = arith.constant 0 : i32
        %dma_wait3A_210 = arith.constant 0 : i32
        %dma_wait3A_211 = tpu.memref_slice %dma_wait3A_208[%add3A_194, %dma_wait3A_209, %dma_wait3A_210] : memref<80x2x128xi32, #tpu.memory_space<hbm>> -> memref<1x2x128xi32, #tpu.memory_space<hbm>>
        %dma_wait3A_212 = tpu.memref_squeeze %dma_wait3A_211 : memref<1x2x128xi32, #tpu.memory_space<hbm>> -> memref<2x128xi32, #tpu.memory_space<hbm>>
        tpu.wait_dma2 semaphore(%arg16 : memref<!tpu.dma_semaphore, #tpu.memory_space<semaphore_mem>>) src(%dma_wait3A_212 : memref<2x128xi32, #tpu.memory_space<hbm>>) dst(%arg7 : memref<2x128xi32, #tpu.memory_space<vmem>>)
        %dma_start3A_213 = arith.constant 0 : i32
        %dma_start3A_214 = arith.constant 0 : i32
        %dma_start3A_215 = tpu.memref_slice %arg7[%dma_start3A_213, %dma_start3A_214] : memref<2x128xi32, #tpu.memory_space<vmem>> -> memref<1x128xi32, #tpu.memory_space<vmem>>
        %dma_start3A_216 = tpu.memref_squeeze %dma_start3A_215 : memref<1x128xi32, #tpu.memory_space<vmem>> -> memref<128xi32, #tpu.memory_space<vmem>>
        %dma_start3A_217 = arith.constant 0 : i32
        %dma_start3A_218 = arith.constant 0 : i32
        %dma_start3A_219 = tpu.memref_slice %arg2[%dma_start3A_217, %dma_start3A_218] : memref<10000x128xf32, #tpu.memory_space<hbm>> -> memref<10000x128xf32, #tpu.memory_space<hbm>>
        tpu.enqueue_indirect_dma source(%dma_start3A_219 : memref<10000x128xf32, #tpu.memory_space<hbm>>) target(%arg11 : memref<128x128xf32, #tpu.memory_space<vmem>>) offsets(%dma_start3A_216 : memref<128xi32, #tpu.memory_space<vmem>>) semaphore(%arg14 : memref<!tpu.dma_semaphore, #tpu.memory_space<semaphore_mem>>)
      } else {
      }
      %add3A_75 = arith.constant 2 : i32
      %add3A_76 = arith.addi %add3A_50, %add3A_75 : i32
      %lt3A_77 = arith.constant 80 : i32
      %lt3A_78 = arith.cmpi slt, %add3A_76, %lt3A_77 : i32
      %convert_element_type3A_79 = arith.extui %lt3A_78 : i1 to i32
      %cond3A_80 = arith.constant 0 : i32
      %cond3A_81 = arith.cmpi ne, %convert_element_type3A_79, %cond3A_80 : i32
      scf.if %cond3A_81 {
        %add3A_193 = arith.constant 2 : i32
        %add3A_194 = arith.addi %add3A_50, %add3A_193 : i32
        %dma_start3A_195 = arith.constant 0 : i32
        %dma_start3A_196 = arith.constant 0 : i32
        %dma_start3A_197 = arith.constant 0 : i32
        %dma_start3A_198 = tpu.memref_slice %arg3[%add3A, %dma_start3A_195, %dma_start3A_196, %dma_start3A_197] : memref<32x80x2x128xi32, #tpu.memory_space<hbm>> -> memref<1x80x2x128xi32, #tpu.memory_space<hbm>>
        %dma_start3A_199 = tpu.memref_squeeze %dma_start3A_198 : memref<1x80x2x128xi32, #tpu.memory_space<hbm>> -> memref<80x2x128xi32, #tpu.memory_space<hbm>>
        %dma_start3A_200 = arith.constant 0 : i32
        %dma_start3A_201 = arith.constant 0 : i32
        %dma_start3A_202 = tpu.memref_slice %dma_start3A_199[%add3A_194, %dma_start3A_200, %dma_start3A_201] : memref<80x2x128xi32, #tpu.memory_space<hbm>> -> memref<1x2x128xi32, #tpu.memory_space<hbm>>
        %dma_start3A_203 = tpu.memref_squeeze %dma_start3A_202 : memref<1x2x128xi32, #tpu.memory_space<hbm>> -> memref<2x128xi32, #tpu.memory_space<hbm>>
        %dma_start3A_204 = arith.constant 0 : i32
        %dma_start3A_205 = arith.constant 0 : i32
        %dma_start3A_206 = arith.constant 0 : i32
        %dma_start3A_207 = tpu.memref_slice %arg3[%add3A, %dma_start3A_204, %dma_start3A_205, %dma_start3A_206] : memref<32x80x2x128xi32, #tpu.memory_space<hbm>> -> memref<1x80x2x128xi32, #tpu.memory_space<hbm>>
        %dma_start3A_208 = tpu.memref_squeeze %dma_start3A_207 : memref<1x80x2x128xi32, #tpu.memory_space<hbm>> -> memref<80x2x128xi32, #tpu.memory_space<hbm>>
        %dma_start3A_209 = arith.constant 0 : i32
        %dma_start3A_210 = arith.constant 0 : i32
        %dma_start3A_211 = tpu.memref_slice %dma_start3A_208[%add3A_194, %dma_start3A_209, %dma_start3A_210] : memref<80x2x128xi32, #tpu.memory_space<hbm>> -> memref<1x2x128xi32, #tpu.memory_space<hbm>>
        %dma_start3A_212 = tpu.memref_squeeze %dma_start3A_211 : memref<1x2x128xi32, #tpu.memory_space<hbm>> -> memref<2x128xi32, #tpu.memory_space<hbm>>
        tpu.enqueue_dma source(%dma_start3A_212 : memref<2x128xi32, #tpu.memory_space<hbm>>) target(%arg8 : memref<2x128xi32, #tpu.memory_space<vmem>>) target_semaphore(%arg17 : memref<!tpu.dma_semaphore, #tpu.memory_space<semaphore_mem>>)
      } else {
      }
      %mul3A_82 = arith.constant 4 : i32
      %mul3A_83 = arith.muli %scan3A_46, %mul3A_82 : i32
      %add3A_84 = arith.constant 1 : i32
      %add3A_85 = arith.addi %mul3A_83, %add3A_84 : i32
      %dma_wait3A_86 = arith.constant 0 : i32
      %dma_wait3A_87 = arith.constant 0 : i32
      %dma_wait3A_88 = tpu.memref_slice %arg7[%dma_wait3A_86, %dma_wait3A_87] : memref<2x128xi32, #tpu.memory_space<vmem>> -> memref<1x128xi32, #tpu.memory_space<vmem>>
      %dma_wait3A_89 = tpu.memref_squeeze %dma_wait3A_88 : memref<1x128xi32, #tpu.memory_space<vmem>> -> memref<128xi32, #tpu.memory_space<vmem>>
      %dma_wait3A_90 = arith.constant 0 : i32
      %dma_wait3A_91 = arith.constant 0 : i32
      %dma_wait3A_92 = tpu.memref_slice %arg2[%dma_wait3A_90, %dma_wait3A_91] : memref<10000x128xf32, #tpu.memory_space<hbm>> -> memref<10000x128xf32, #tpu.memory_space<hbm>>
      tpu.wait_indirect_dma semaphore(%arg14 : memref<!tpu.dma_semaphore, #tpu.memory_space<semaphore_mem>>) src(%dma_wait3A_92 : memref<10000x128xf32, #tpu.memory_space<hbm>>) dst(%arg11 : memref<128x128xf32, #tpu.memory_space<vmem>>)
      %dma_start3A_93 = arith.constant 1 : i32
      %dma_start3A_94 = arith.constant 0 : i32
      %dma_start3A_95 = tpu.memref_slice %arg7[%dma_start3A_93, %dma_start3A_94] : memref<2x128xi32, #tpu.memory_space<vmem>> -> memref<1x128xi32, #tpu.memory_space<vmem>>
      %dma_start3A_96 = tpu.memref_squeeze %dma_start3A_95 : memref<1x128xi32, #tpu.memory_space<vmem>> -> memref<128xi32, #tpu.memory_space<vmem>>
      %dma_start3A_97 = arith.constant 0 : i32
      %dma_start3A_98 = arith.constant 0 : i32
      %dma_start3A_99 = tpu.memref_slice %arg12[%dma_start3A_97, %dma_start3A_98] : memref<10240x128xf32, #tpu.memory_space<vmem_shared>> -> memref<10240x128xf32, #tpu.memory_space<vmem_shared>>
      tpu.enqueue_indirect_dma source(%arg11 : memref<128x128xf32, #tpu.memory_space<vmem>>) target(%dma_start3A_99 : memref<10240x128xf32, #tpu.memory_space<vmem_shared>>) offsets(%dma_start3A_96 : memref<128xi32, #tpu.memory_space<vmem>>) semaphore(%arg20 : memref<!tpu.dma_semaphore, #tpu.memory_space<semaphore_mem>>) {add = true}
      %ge3A_100 = arith.constant 1 : i32
      %ge3A_101 = arith.cmpi sge, %add3A_85, %ge3A_100 : i32
      %convert_element_type3A_102 = arith.extui %ge3A_101 : i1 to i32
      %cond3A_103 = arith.constant 0 : i32
      %cond3A_104 = arith.cmpi ne, %convert_element_type3A_102, %cond3A_103 : i32
      scf.if %cond3A_104 {
        %dma_wait3A_193 = arith.constant 1 : i32
        %dma_wait3A_194 = arith.constant 0 : i32
        %dma_wait3A_195 = tpu.memref_slice %arg6[%dma_wait3A_193, %dma_wait3A_194] : memref<2x128xi32, #tpu.memory_space<vmem>> -> memref<1x128xi32, #tpu.memory_space<vmem>>
        %dma_wait3A_196 = tpu.memref_squeeze %dma_wait3A_195 : memref<1x128xi32, #tpu.memory_space<vmem>> -> memref<128xi32, #tpu.memory_space<vmem>>
        %dma_wait3A_197 = arith.constant 0 : i32
        %dma_wait3A_198 = arith.constant 0 : i32
        %dma_wait3A_199 = tpu.memref_slice %arg12[%dma_wait3A_197, %dma_wait3A_198] : memref<10240x128xf32, #tpu.memory_space<vmem_shared>> -> memref<10240x128xf32, #tpu.memory_space<vmem_shared>>
        tpu.wait_indirect_dma semaphore(%arg19 : memref<!tpu.dma_semaphore, #tpu.memory_space<semaphore_mem>>) src(%arg10 : memref<128x128xf32, #tpu.memory_space<vmem>>) dst(%dma_wait3A_199 : memref<10240x128xf32, #tpu.memory_space<vmem_shared>>)
      } else {
      }
      %add3A_105 = arith.constant 1 : i32
      %add3A_106 = arith.addi %add3A_85, %add3A_105 : i32
      %lt3A_107 = arith.constant 80 : i32
      %lt3A_108 = arith.cmpi slt, %add3A_106, %lt3A_107 : i32
      %convert_element_type3A_109 = arith.extui %lt3A_108 : i1 to i32
      %cond3A_110 = arith.constant 0 : i32
      %cond3A_111 = arith.cmpi ne, %convert_element_type3A_109, %cond3A_110 : i32
      scf.if %cond3A_111 {
        %add3A_193 = arith.constant 1 : i32
        %add3A_194 = arith.addi %add3A_85, %add3A_193 : i32
        %dma_wait3A_195 = arith.constant 0 : i32
        %dma_wait3A_196 = arith.constant 0 : i32
        %dma_wait3A_197 = arith.constant 0 : i32
        %dma_wait3A_198 = tpu.memref_slice %arg3[%add3A, %dma_wait3A_195, %dma_wait3A_196, %dma_wait3A_197] : memref<32x80x2x128xi32, #tpu.memory_space<hbm>> -> memref<1x80x2x128xi32, #tpu.memory_space<hbm>>
        %dma_wait3A_199 = tpu.memref_squeeze %dma_wait3A_198 : memref<1x80x2x128xi32, #tpu.memory_space<hbm>> -> memref<80x2x128xi32, #tpu.memory_space<hbm>>
        %dma_wait3A_200 = arith.constant 0 : i32
        %dma_wait3A_201 = arith.constant 0 : i32
        %dma_wait3A_202 = tpu.memref_slice %dma_wait3A_199[%add3A_194, %dma_wait3A_200, %dma_wait3A_201] : memref<80x2x128xi32, #tpu.memory_space<hbm>> -> memref<1x2x128xi32, #tpu.memory_space<hbm>>
        %dma_wait3A_203 = tpu.memref_squeeze %dma_wait3A_202 : memref<1x2x128xi32, #tpu.memory_space<hbm>> -> memref<2x128xi32, #tpu.memory_space<hbm>>
        %dma_wait3A_204 = arith.constant 0 : i32
        %dma_wait3A_205 = arith.constant 0 : i32
        %dma_wait3A_206 = arith.constant 0 : i32
        %dma_wait3A_207 = tpu.memref_slice %arg3[%add3A, %dma_wait3A_204, %dma_wait3A_205, %dma_wait3A_206] : memref<32x80x2x128xi32, #tpu.memory_space<hbm>> -> memref<1x80x2x128xi32, #tpu.memory_space<hbm>>
        %dma_wait3A_208 = tpu.memref_squeeze %dma_wait3A_207 : memref<1x80x2x128xi32, #tpu.memory_space<hbm>> -> memref<80x2x128xi32, #tpu.memory_space<hbm>>
        %dma_wait3A_209 = arith.constant 0 : i32
        %dma_wait3A_210 = arith.constant 0 : i32
        %dma_wait3A_211 = tpu.memref_slice %dma_wait3A_208[%add3A_194, %dma_wait3A_209, %dma_wait3A_210] : memref<80x2x128xi32, #tpu.memory_space<hbm>> -> memref<1x2x128xi32, #tpu.memory_space<hbm>>
        %dma_wait3A_212 = tpu.memref_squeeze %dma_wait3A_211 : memref<1x2x128xi32, #tpu.memory_space<hbm>> -> memref<2x128xi32, #tpu.memory_space<hbm>>
        tpu.wait_dma2 semaphore(%arg17 : memref<!tpu.dma_semaphore, #tpu.memory_space<semaphore_mem>>) src(%dma_wait3A_212 : memref<2x128xi32, #tpu.memory_space<hbm>>) dst(%arg8 : memref<2x128xi32, #tpu.memory_space<vmem>>)
        %dma_start3A_213 = arith.constant 0 : i32
        %dma_start3A_214 = arith.constant 0 : i32
        %dma_start3A_215 = tpu.memref_slice %arg8[%dma_start3A_213, %dma_start3A_214] : memref<2x128xi32, #tpu.memory_space<vmem>> -> memref<1x128xi32, #tpu.memory_space<vmem>>
        %dma_start3A_216 = tpu.memref_squeeze %dma_start3A_215 : memref<1x128xi32, #tpu.memory_space<vmem>> -> memref<128xi32, #tpu.memory_space<vmem>>
        %dma_start3A_217 = arith.constant 0 : i32
        %dma_start3A_218 = arith.constant 0 : i32
        %dma_start3A_219 = tpu.memref_slice %arg2[%dma_start3A_217, %dma_start3A_218] : memref<10000x128xf32, #tpu.memory_space<hbm>> -> memref<10000x128xf32, #tpu.memory_space<hbm>>
        tpu.enqueue_indirect_dma source(%dma_start3A_219 : memref<10000x128xf32, #tpu.memory_space<hbm>>) target(%arg10 : memref<128x128xf32, #tpu.memory_space<vmem>>) offsets(%dma_start3A_216 : memref<128xi32, #tpu.memory_space<vmem>>) semaphore(%arg13 : memref<!tpu.dma_semaphore, #tpu.memory_space<semaphore_mem>>)
      } else {
      }
      %add3A_112 = arith.constant 2 : i32
      %add3A_113 = arith.addi %add3A_85, %add3A_112 : i32
      %lt3A_114 = arith.constant 80 : i32
      %lt3A_115 = arith.cmpi slt, %add3A_113, %lt3A_114 : i32
      %convert_element_type3A_116 = arith.extui %lt3A_115 : i1 to i32
      %cond3A_117 = arith.constant 0 : i32
      %cond3A_118 = arith.cmpi ne, %convert_element_type3A_116, %cond3A_117 : i32
      scf.if %cond3A_118 {
        %add3A_193 = arith.constant 2 : i32
        %add3A_194 = arith.addi %add3A_85, %add3A_193 : i32
        %dma_start3A_195 = arith.constant 0 : i32
        %dma_start3A_196 = arith.constant 0 : i32
        %dma_start3A_197 = arith.constant 0 : i32
        %dma_start3A_198 = tpu.memref_slice %arg3[%add3A, %dma_start3A_195, %dma_start3A_196, %dma_start3A_197] : memref<32x80x2x128xi32, #tpu.memory_space<hbm>> -> memref<1x80x2x128xi32, #tpu.memory_space<hbm>>
        %dma_start3A_199 = tpu.memref_squeeze %dma_start3A_198 : memref<1x80x2x128xi32, #tpu.memory_space<hbm>> -> memref<80x2x128xi32, #tpu.memory_space<hbm>>
        %dma_start3A_200 = arith.constant 0 : i32
        %dma_start3A_201 = arith.constant 0 : i32
        %dma_start3A_202 = tpu.memref_slice %dma_start3A_199[%add3A_194, %dma_start3A_200, %dma_start3A_201] : memref<80x2x128xi32, #tpu.memory_space<hbm>> -> memref<1x2x128xi32, #tpu.memory_space<hbm>>
        %dma_start3A_203 = tpu.memref_squeeze %dma_start3A_202 : memref<1x2x128xi32, #tpu.memory_space<hbm>> -> memref<2x128xi32, #tpu.memory_space<hbm>>
        %dma_start3A_204 = arith.constant 0 : i32
        %dma_start3A_205 = arith.constant 0 : i32
        %dma_start3A_206 = arith.constant 0 : i32
        %dma_start3A_207 = tpu.memref_slice %arg3[%add3A, %dma_start3A_204, %dma_start3A_205, %dma_start3A_206] : memref<32x80x2x128xi32, #tpu.memory_space<hbm>> -> memref<1x80x2x128xi32, #tpu.memory_space<hbm>>
        %dma_start3A_208 = tpu.memref_squeeze %dma_start3A_207 : memref<1x80x2x128xi32, #tpu.memory_space<hbm>> -> memref<80x2x128xi32, #tpu.memory_space<hbm>>
        %dma_start3A_209 = arith.constant 0 : i32
        %dma_start3A_210 = arith.constant 0 : i32
        %dma_start3A_211 = tpu.memref_slice %dma_start3A_208[%add3A_194, %dma_start3A_209, %dma_start3A_210] : memref<80x2x128xi32, #tpu.memory_space<hbm>> -> memref<1x2x128xi32, #tpu.memory_space<hbm>>
        %dma_start3A_212 = tpu.memref_squeeze %dma_start3A_211 : memref<1x2x128xi32, #tpu.memory_space<hbm>> -> memref<2x128xi32, #tpu.memory_space<hbm>>
        tpu.enqueue_dma source(%dma_start3A_212 : memref<2x128xi32, #tpu.memory_space<hbm>>) target(%arg9 : memref<2x128xi32, #tpu.memory_space<vmem>>) target_semaphore(%arg18 : memref<!tpu.dma_semaphore, #tpu.memory_space<semaphore_mem>>)
      } else {
      }
      %mul3A_119 = arith.constant 4 : i32
      %mul3A_120 = arith.muli %scan3A_46, %mul3A_119 : i32
      %add3A_121 = arith.constant 2 : i32
      %add3A_122 = arith.addi %mul3A_120, %add3A_121 : i32
      %dma_wait3A_123 = arith.constant 0 : i32
      %dma_wait3A_124 = arith.constant 0 : i32
      %dma_wait3A_125 = tpu.memref_slice %arg8[%dma_wait3A_123, %dma_wait3A_124] : memref<2x128xi32, #tpu.memory_space<vmem>> -> memref<1x128xi32, #tpu.memory_space<vmem>>
      %dma_wait3A_126 = tpu.memref_squeeze %dma_wait3A_125 : memref<1x128xi32, #tpu.memory_space<vmem>> -> memref<128xi32, #tpu.memory_space<vmem>>
      %dma_wait3A_127 = arith.constant 0 : i32
      %dma_wait3A_128 = arith.constant 0 : i32
      %dma_wait3A_129 = tpu.memref_slice %arg2[%dma_wait3A_127, %dma_wait3A_128] : memref<10000x128xf32, #tpu.memory_space<hbm>> -> memref<10000x128xf32, #tpu.memory_space<hbm>>
      tpu.wait_indirect_dma semaphore(%arg13 : memref<!tpu.dma_semaphore, #tpu.memory_space<semaphore_mem>>) src(%dma_wait3A_129 : memref<10000x128xf32, #tpu.memory_space<hbm>>) dst(%arg10 : memref<128x128xf32, #tpu.memory_space<vmem>>)
      %dma_start3A_130 = arith.constant 1 : i32
      %dma_start3A_131 = arith.constant 0 : i32
      %dma_start3A_132 = tpu.memref_slice %arg8[%dma_start3A_130, %dma_start3A_131] : memref<2x128xi32, #tpu.memory_space<vmem>> -> memref<1x128xi32, #tpu.memory_space<vmem>>
      %dma_start3A_133 = tpu.memref_squeeze %dma_start3A_132 : memref<1x128xi32, #tpu.memory_space<vmem>> -> memref<128xi32, #tpu.memory_space<vmem>>
      %dma_start3A_134 = arith.constant 0 : i32
      %dma_start3A_135 = arith.constant 0 : i32
      %dma_start3A_136 = tpu.memref_slice %arg12[%dma_start3A_134, %dma_start3A_135] : memref<10240x128xf32, #tpu.memory_space<vmem_shared>> -> memref<10240x128xf32, #tpu.memory_space<vmem_shared>>
      tpu.enqueue_indirect_dma source(%arg10 : memref<128x128xf32, #tpu.memory_space<vmem>>) target(%dma_start3A_136 : memref<10240x128xf32, #tpu.memory_space<vmem_shared>>) offsets(%dma_start3A_133 : memref<128xi32, #tpu.memory_space<vmem>>) semaphore(%arg19 : memref<!tpu.dma_semaphore, #tpu.memory_space<semaphore_mem>>) {add = true}
      %ge3A_137 = arith.constant 1 : i32
      %ge3A_138 = arith.cmpi sge, %add3A_122, %ge3A_137 : i32
      %convert_element_type3A_139 = arith.extui %ge3A_138 : i1 to i32
      %cond3A_140 = arith.constant 0 : i32
      %cond3A_141 = arith.cmpi ne, %convert_element_type3A_139, %cond3A_140 : i32
      scf.if %cond3A_141 {
        %dma_wait3A_193 = arith.constant 1 : i32
        %dma_wait3A_194 = arith.constant 0 : i32
        %dma_wait3A_195 = tpu.memref_slice %arg7[%dma_wait3A_193, %dma_wait3A_194] : memref<2x128xi32, #tpu.memory_space<vmem>> -> memref<1x128xi32, #tpu.memory_space<vmem>>
        %dma_wait3A_196 = tpu.memref_squeeze %dma_wait3A_195 : memref<1x128xi32, #tpu.memory_space<vmem>> -> memref<128xi32, #tpu.memory_space<vmem>>
        %dma_wait3A_197 = arith.constant 0 : i32
        %dma_wait3A_198 = arith.constant 0 : i32
        %dma_wait3A_199 = tpu.memref_slice %arg12[%dma_wait3A_197, %dma_wait3A_198] : memref<10240x128xf32, #tpu.memory_space<vmem_shared>> -> memref<10240x128xf32, #tpu.memory_space<vmem_shared>>
        tpu.wait_indirect_dma semaphore(%arg20 : memref<!tpu.dma_semaphore, #tpu.memory_space<semaphore_mem>>) src(%arg11 : memref<128x128xf32, #tpu.memory_space<vmem>>) dst(%dma_wait3A_199 : memref<10240x128xf32, #tpu.memory_space<vmem_shared>>)
      } else {
      }
      %add3A_142 = arith.constant 1 : i32
      %add3A_143 = arith.addi %add3A_122, %add3A_142 : i32
      %lt3A_144 = arith.constant 80 : i32
      %lt3A_145 = arith.cmpi slt, %add3A_143, %lt3A_144 : i32
      %convert_element_type3A_146 = arith.extui %lt3A_145 : i1 to i32
      %cond3A_147 = arith.constant 0 : i32
      %cond3A_148 = arith.cmpi ne, %convert_element_type3A_146, %cond3A_147 : i32
      scf.if %cond3A_148 {
        %add3A_193 = arith.constant 1 : i32
        %add3A_194 = arith.addi %add3A_122, %add3A_193 : i32
        %dma_wait3A_195 = arith.constant 0 : i32
        %dma_wait3A_196 = arith.constant 0 : i32
        %dma_wait3A_197 = arith.constant 0 : i32
        %dma_wait3A_198 = tpu.memref_slice %arg3[%add3A, %dma_wait3A_195, %dma_wait3A_196, %dma_wait3A_197] : memref<32x80x2x128xi32, #tpu.memory_space<hbm>> -> memref<1x80x2x128xi32, #tpu.memory_space<hbm>>
        %dma_wait3A_199 = tpu.memref_squeeze %dma_wait3A_198 : memref<1x80x2x128xi32, #tpu.memory_space<hbm>> -> memref<80x2x128xi32, #tpu.memory_space<hbm>>
        %dma_wait3A_200 = arith.constant 0 : i32
        %dma_wait3A_201 = arith.constant 0 : i32
        %dma_wait3A_202 = tpu.memref_slice %dma_wait3A_199[%add3A_194, %dma_wait3A_200, %dma_wait3A_201] : memref<80x2x128xi32, #tpu.memory_space<hbm>> -> memref<1x2x128xi32, #tpu.memory_space<hbm>>
        %dma_wait3A_203 = tpu.memref_squeeze %dma_wait3A_202 : memref<1x2x128xi32, #tpu.memory_space<hbm>> -> memref<2x128xi32, #tpu.memory_space<hbm>>
        %dma_wait3A_204 = arith.constant 0 : i32
        %dma_wait3A_205 = arith.constant 0 : i32
        %dma_wait3A_206 = arith.constant 0 : i32
        %dma_wait3A_207 = tpu.memref_slice %arg3[%add3A, %dma_wait3A_204, %dma_wait3A_205, %dma_wait3A_206] : memref<32x80x2x128xi32, #tpu.memory_space<hbm>> -> memref<1x80x2x128xi32, #tpu.memory_space<hbm>>
        %dma_wait3A_208 = tpu.memref_squeeze %dma_wait3A_207 : memref<1x80x2x128xi32, #tpu.memory_space<hbm>> -> memref<80x2x128xi32, #tpu.memory_space<hbm>>
        %dma_wait3A_209 = arith.constant 0 : i32
        %dma_wait3A_210 = arith.constant 0 : i32
        %dma_wait3A_211 = tpu.memref_slice %dma_wait3A_208[%add3A_194, %dma_wait3A_209, %dma_wait3A_210] : memref<80x2x128xi32, #tpu.memory_space<hbm>> -> memref<1x2x128xi32, #tpu.memory_space<hbm>>
        %dma_wait3A_212 = tpu.memref_squeeze %dma_wait3A_211 : memref<1x2x128xi32, #tpu.memory_space<hbm>> -> memref<2x128xi32, #tpu.memory_space<hbm>>
        tpu.wait_dma2 semaphore(%arg18 : memref<!tpu.dma_semaphore, #tpu.memory_space<semaphore_mem>>) src(%dma_wait3A_212 : memref<2x128xi32, #tpu.memory_space<hbm>>) dst(%arg9 : memref<2x128xi32, #tpu.memory_space<vmem>>)
        %dma_start3A_213 = arith.constant 0 : i32
        %dma_start3A_214 = arith.constant 0 : i32
        %dma_start3A_215 = tpu.memref_slice %arg9[%dma_start3A_213, %dma_start3A_214] : memref<2x128xi32, #tpu.memory_space<vmem>> -> memref<1x128xi32, #tpu.memory_space<vmem>>
        %dma_start3A_216 = tpu.memref_squeeze %dma_start3A_215 : memref<1x128xi32, #tpu.memory_space<vmem>> -> memref<128xi32, #tpu.memory_space<vmem>>
        %dma_start3A_217 = arith.constant 0 : i32
        %dma_start3A_218 = arith.constant 0 : i32
        %dma_start3A_219 = tpu.memref_slice %arg2[%dma_start3A_217, %dma_start3A_218] : memref<10000x128xf32, #tpu.memory_space<hbm>> -> memref<10000x128xf32, #tpu.memory_space<hbm>>
        tpu.enqueue_indirect_dma source(%dma_start3A_219 : memref<10000x128xf32, #tpu.memory_space<hbm>>) target(%arg11 : memref<128x128xf32, #tpu.memory_space<vmem>>) offsets(%dma_start3A_216 : memref<128xi32, #tpu.memory_space<vmem>>) semaphore(%arg14 : memref<!tpu.dma_semaphore, #tpu.memory_space<semaphore_mem>>)
      } else {
      }
      %add3A_149 = arith.constant 2 : i32
      %add3A_150 = arith.addi %add3A_122, %add3A_149 : i32
      %lt3A_151 = arith.constant 80 : i32
      %lt3A_152 = arith.cmpi slt, %add3A_150, %lt3A_151 : i32
      %convert_element_type3A_153 = arith.extui %lt3A_152 : i1 to i32
      %cond3A_154 = arith.constant 0 : i32
      %cond3A_155 = arith.cmpi ne, %convert_element_type3A_153, %cond3A_154 : i32
      scf.if %cond3A_155 {
        %add3A_193 = arith.constant 2 : i32
        %add3A_194 = arith.addi %add3A_122, %add3A_193 : i32
        %dma_start3A_195 = arith.constant 0 : i32
        %dma_start3A_196 = arith.constant 0 : i32
        %dma_start3A_197 = arith.constant 0 : i32
        %dma_start3A_198 = tpu.memref_slice %arg3[%add3A, %dma_start3A_195, %dma_start3A_196, %dma_start3A_197] : memref<32x80x2x128xi32, #tpu.memory_space<hbm>> -> memref<1x80x2x128xi32, #tpu.memory_space<hbm>>
        %dma_start3A_199 = tpu.memref_squeeze %dma_start3A_198 : memref<1x80x2x128xi32, #tpu.memory_space<hbm>> -> memref<80x2x128xi32, #tpu.memory_space<hbm>>
        %dma_start3A_200 = arith.constant 0 : i32
        %dma_start3A_201 = arith.constant 0 : i32
        %dma_start3A_202 = tpu.memref_slice %dma_start3A_199[%add3A_194, %dma_start3A_200, %dma_start3A_201] : memref<80x2x128xi32, #tpu.memory_space<hbm>> -> memref<1x2x128xi32, #tpu.memory_space<hbm>>
        %dma_start3A_203 = tpu.memref_squeeze %dma_start3A_202 : memref<1x2x128xi32, #tpu.memory_space<hbm>> -> memref<2x128xi32, #tpu.memory_space<hbm>>
        %dma_start3A_204 = arith.constant 0 : i32
        %dma_start3A_205 = arith.constant 0 : i32
        %dma_start3A_206 = arith.constant 0 : i32
        %dma_start3A_207 = tpu.memref_slice %arg3[%add3A, %dma_start3A_204, %dma_start3A_205, %dma_start3A_206] : memref<32x80x2x128xi32, #tpu.memory_space<hbm>> -> memref<1x80x2x128xi32, #tpu.memory_space<hbm>>
        %dma_start3A_208 = tpu.memref_squeeze %dma_start3A_207 : memref<1x80x2x128xi32, #tpu.memory_space<hbm>> -> memref<80x2x128xi32, #tpu.memory_space<hbm>>
        %dma_start3A_209 = arith.constant 0 : i32
        %dma_start3A_210 = arith.constant 0 : i32
        %dma_start3A_211 = tpu.memref_slice %dma_start3A_208[%add3A_194, %dma_start3A_209, %dma_start3A_210] : memref<80x2x128xi32, #tpu.memory_space<hbm>> -> memref<1x2x128xi32, #tpu.memory_space<hbm>>
        %dma_start3A_212 = tpu.memref_squeeze %dma_start3A_211 : memref<1x2x128xi32, #tpu.memory_space<hbm>> -> memref<2x128xi32, #tpu.memory_space<hbm>>
        tpu.enqueue_dma source(%dma_start3A_212 : memref<2x128xi32, #tpu.memory_space<hbm>>) target(%arg6 : memref<2x128xi32, #tpu.memory_space<vmem>>) target_semaphore(%arg15 : memref<!tpu.dma_semaphore, #tpu.memory_space<semaphore_mem>>)
      } else {
      }
      %mul3A_156 = arith.constant 4 : i32
      %mul3A_157 = arith.muli %scan3A_46, %mul3A_156 : i32
      %add3A_158 = arith.constant 3 : i32
      %add3A_159 = arith.addi %mul3A_157, %add3A_158 : i32
      %dma_wait3A_160 = arith.constant 0 : i32
      %dma_wait3A_161 = arith.constant 0 : i32
      %dma_wait3A_162 = tpu.memref_slice %arg9[%dma_wait3A_160, %dma_wait3A_161] : memref<2x128xi32, #tpu.memory_space<vmem>> -> memref<1x128xi32, #tpu.memory_space<vmem>>
      %dma_wait3A_163 = tpu.memref_squeeze %dma_wait3A_162 : memref<1x128xi32, #tpu.memory_space<vmem>> -> memref<128xi32, #tpu.memory_space<vmem>>
      %dma_wait3A_164 = arith.constant 0 : i32
      %dma_wait3A_165 = arith.constant 0 : i32
      %dma_wait3A_166 = tpu.memref_slice %arg2[%dma_wait3A_164, %dma_wait3A_165] : memref<10000x128xf32, #tpu.memory_space<hbm>> -> memref<10000x128xf32, #tpu.memory_space<hbm>>
      tpu.wait_indirect_dma semaphore(%arg14 : memref<!tpu.dma_semaphore, #tpu.memory_space<semaphore_mem>>) src(%dma_wait3A_166 : memref<10000x128xf32, #tpu.memory_space<hbm>>) dst(%arg11 : memref<128x128xf32, #tpu.memory_space<vmem>>)
      %dma_start3A_167 = arith.constant 1 : i32
      %dma_start3A_168 = arith.constant 0 : i32
      %dma_start3A_169 = tpu.memref_slice %arg9[%dma_start3A_167, %dma_start3A_168] : memref<2x128xi32, #tpu.memory_space<vmem>> -> memref<1x128xi32, #tpu.memory_space<vmem>>
      %dma_start3A_170 = tpu.memref_squeeze %dma_start3A_169 : memref<1x128xi32, #tpu.memory_space<vmem>> -> memref<128xi32, #tpu.memory_space<vmem>>
      %dma_start3A_171 = arith.constant 0 : i32
      %dma_start3A_172 = arith.constant 0 : i32
      %dma_start3A_173 = tpu.memref_slice %arg12[%dma_start3A_171, %dma_start3A_172] : memref<10240x128xf32, #tpu.memory_space<vmem_shared>> -> memref<10240x128xf32, #tpu.memory_space<vmem_shared>>
      tpu.enqueue_indirect_dma source(%arg11 : memref<128x128xf32, #tpu.memory_space<vmem>>) target(%dma_start3A_173 : memref<10240x128xf32, #tpu.memory_space<vmem_shared>>) offsets(%dma_start3A_170 : memref<128xi32, #tpu.memory_space<vmem>>) semaphore(%arg20 : memref<!tpu.dma_semaphore, #tpu.memory_space<semaphore_mem>>) {add = true}
      %ge3A_174 = arith.constant 1 : i32
      %ge3A_175 = arith.cmpi sge, %add3A_159, %ge3A_174 : i32
      %convert_element_type3A_176 = arith.extui %ge3A_175 : i1 to i32
      %cond3A_177 = arith.constant 0 : i32
      %cond3A_178 = arith.cmpi ne, %convert_element_type3A_176, %cond3A_177 : i32
      scf.if %cond3A_178 {
        %dma_wait3A_193 = arith.constant 1 : i32
        %dma_wait3A_194 = arith.constant 0 : i32
        %dma_wait3A_195 = tpu.memref_slice %arg8[%dma_wait3A_193, %dma_wait3A_194] : memref<2x128xi32, #tpu.memory_space<vmem>> -> memref<1x128xi32, #tpu.memory_space<vmem>>
        %dma_wait3A_196 = tpu.memref_squeeze %dma_wait3A_195 : memref<1x128xi32, #tpu.memory_space<vmem>> -> memref<128xi32, #tpu.memory_space<vmem>>
        %dma_wait3A_197 = arith.constant 0 : i32
        %dma_wait3A_198 = arith.constant 0 : i32
        %dma_wait3A_199 = tpu.memref_slice %arg12[%dma_wait3A_197, %dma_wait3A_198] : memref<10240x128xf32, #tpu.memory_space<vmem_shared>> -> memref<10240x128xf32, #tpu.memory_space<vmem_shared>>
        tpu.wait_indirect_dma semaphore(%arg19 : memref<!tpu.dma_semaphore, #tpu.memory_space<semaphore_mem>>) src(%arg10 : memref<128x128xf32, #tpu.memory_space<vmem>>) dst(%dma_wait3A_199 : memref<10240x128xf32, #tpu.memory_space<vmem_shared>>)
      } else {
      }
      %add3A_179 = arith.constant 1 : i32
      %add3A_180 = arith.addi %add3A_159, %add3A_179 : i32
      %lt3A_181 = arith.constant 80 : i32
      %lt3A_182 = arith.cmpi slt, %add3A_180, %lt3A_181 : i32
      %convert_element_type3A_183 = arith.extui %lt3A_182 : i1 to i32
      %cond3A_184 = arith.constant 0 : i32
      %cond3A_185 = arith.cmpi ne, %convert_element_type3A_183, %cond3A_184 : i32
      scf.if %cond3A_185 {
        %add3A_193 = arith.constant 1 : i32
        %add3A_194 = arith.addi %add3A_159, %add3A_193 : i32
        %dma_wait3A_195 = arith.constant 0 : i32
        %dma_wait3A_196 = arith.constant 0 : i32
        %dma_wait3A_197 = arith.constant 0 : i32
        %dma_wait3A_198 = tpu.memref_slice %arg3[%add3A, %dma_wait3A_195, %dma_wait3A_196, %dma_wait3A_197] : memref<32x80x2x128xi32, #tpu.memory_space<hbm>> -> memref<1x80x2x128xi32, #tpu.memory_space<hbm>>
        %dma_wait3A_199 = tpu.memref_squeeze %dma_wait3A_198 : memref<1x80x2x128xi32, #tpu.memory_space<hbm>> -> memref<80x2x128xi32, #tpu.memory_space<hbm>>
        %dma_wait3A_200 = arith.constant 0 : i32
        %dma_wait3A_201 = arith.constant 0 : i32
        %dma_wait3A_202 = tpu.memref_slice %dma_wait3A_199[%add3A_194, %dma_wait3A_200, %dma_wait3A_201] : memref<80x2x128xi32, #tpu.memory_space<hbm>> -> memref<1x2x128xi32, #tpu.memory_space<hbm>>
        %dma_wait3A_203 = tpu.memref_squeeze %dma_wait3A_202 : memref<1x2x128xi32, #tpu.memory_space<hbm>> -> memref<2x128xi32, #tpu.memory_space<hbm>>
        %dma_wait3A_204 = arith.constant 0 : i32
        %dma_wait3A_205 = arith.constant 0 : i32
        %dma_wait3A_206 = arith.constant 0 : i32
        %dma_wait3A_207 = tpu.memref_slice %arg3[%add3A, %dma_wait3A_204, %dma_wait3A_205, %dma_wait3A_206] : memref<32x80x2x128xi32, #tpu.memory_space<hbm>> -> memref<1x80x2x128xi32, #tpu.memory_space<hbm>>
        %dma_wait3A_208 = tpu.memref_squeeze %dma_wait3A_207 : memref<1x80x2x128xi32, #tpu.memory_space<hbm>> -> memref<80x2x128xi32, #tpu.memory_space<hbm>>
        %dma_wait3A_209 = arith.constant 0 : i32
        %dma_wait3A_210 = arith.constant 0 : i32
        %dma_wait3A_211 = tpu.memref_slice %dma_wait3A_208[%add3A_194, %dma_wait3A_209, %dma_wait3A_210] : memref<80x2x128xi32, #tpu.memory_space<hbm>> -> memref<1x2x128xi32, #tpu.memory_space<hbm>>
        %dma_wait3A_212 = tpu.memref_squeeze %dma_wait3A_211 : memref<1x2x128xi32, #tpu.memory_space<hbm>> -> memref<2x128xi32, #tpu.memory_space<hbm>>
        tpu.wait_dma2 semaphore(%arg15 : memref<!tpu.dma_semaphore, #tpu.memory_space<semaphore_mem>>) src(%dma_wait3A_212 : memref<2x128xi32, #tpu.memory_space<hbm>>) dst(%arg6 : memref<2x128xi32, #tpu.memory_space<vmem>>)
        %dma_start3A_213 = arith.constant 0 : i32
        %dma_start3A_214 = arith.constant 0 : i32
        %dma_start3A_215 = tpu.memref_slice %arg6[%dma_start3A_213, %dma_start3A_214] : memref<2x128xi32, #tpu.memory_space<vmem>> -> memref<1x128xi32, #tpu.memory_space<vmem>>
        %dma_start3A_216 = tpu.memref_squeeze %dma_start3A_215 : memref<1x128xi32, #tpu.memory_space<vmem>> -> memref<128xi32, #tpu.memory_space<vmem>>
        %dma_start3A_217 = arith.constant 0 : i32
        %dma_start3A_218 = arith.constant 0 : i32
        %dma_start3A_219 = tpu.memref_slice %arg2[%dma_start3A_217, %dma_start3A_218] : memref<10000x128xf32, #tpu.memory_space<hbm>> -> memref<10000x128xf32, #tpu.memory_space<hbm>>
        tpu.enqueue_indirect_dma source(%dma_start3A_219 : memref<10000x128xf32, #tpu.memory_space<hbm>>) target(%arg10 : memref<128x128xf32, #tpu.memory_space<vmem>>) offsets(%dma_start3A_216 : memref<128xi32, #tpu.memory_space<vmem>>) semaphore(%arg13 : memref<!tpu.dma_semaphore, #tpu.memory_space<semaphore_mem>>)
      } else {
      }
      %add3A_186 = arith.constant 2 : i32
      %add3A_187 = arith.addi %add3A_159, %add3A_186 : i32
      %lt3A_188 = arith.constant 80 : i32
      %lt3A_189 = arith.cmpi slt, %add3A_187, %lt3A_188 : i32
      %convert_element_type3A_190 = arith.extui %lt3A_189 : i1 to i32
      %cond3A_191 = arith.constant 0 : i32
      %cond3A_192 = arith.cmpi ne, %convert_element_type3A_190, %cond3A_191 : i32
      scf.if %cond3A_192 {
        %add3A_193 = arith.constant 2 : i32
        %add3A_194 = arith.addi %add3A_159, %add3A_193 : i32
        %dma_start3A_195 = arith.constant 0 : i32
        %dma_start3A_196 = arith.constant 0 : i32
        %dma_start3A_197 = arith.constant 0 : i32
        %dma_start3A_198 = tpu.memref_slice %arg3[%add3A, %dma_start3A_195, %dma_start3A_196, %dma_start3A_197] : memref<32x80x2x128xi32, #tpu.memory_space<hbm>> -> memref<1x80x2x128xi32, #tpu.memory_space<hbm>>
        %dma_start3A_199 = tpu.memref_squeeze %dma_start3A_198 : memref<1x80x2x128xi32, #tpu.memory_space<hbm>> -> memref<80x2x128xi32, #tpu.memory_space<hbm>>
        %dma_start3A_200 = arith.constant 0 : i32
        %dma_start3A_201 = arith.constant 0 : i32
        %dma_start3A_202 = tpu.memref_slice %dma_start3A_199[%add3A_194, %dma_start3A_200, %dma_start3A_201] : memref<80x2x128xi32, #tpu.memory_space<hbm>> -> memref<1x2x128xi32, #tpu.memory_space<hbm>>
        %dma_start3A_203 = tpu.memref_squeeze %dma_start3A_202 : memref<1x2x128xi32, #tpu.memory_space<hbm>> -> memref<2x128xi32, #tpu.memory_space<hbm>>
        %dma_start3A_204 = arith.constant 0 : i32
        %dma_start3A_205 = arith.constant 0 : i32
        %dma_start3A_206 = arith.constant 0 : i32
        %dma_start3A_207 = tpu.memref_slice %arg3[%add3A, %dma_start3A_204, %dma_start3A_205, %dma_start3A_206] : memref<32x80x2x128xi32, #tpu.memory_space<hbm>> -> memref<1x80x2x128xi32, #tpu.memory_space<hbm>>
        %dma_start3A_208 = tpu.memref_squeeze %dma_start3A_207 : memref<1x80x2x128xi32, #tpu.memory_space<hbm>> -> memref<80x2x128xi32, #tpu.memory_space<hbm>>
        %dma_start3A_209 = arith.constant 0 : i32
        %dma_start3A_210 = arith.constant 0 : i32
        %dma_start3A_211 = tpu.memref_slice %dma_start3A_208[%add3A_194, %dma_start3A_209, %dma_start3A_210] : memref<80x2x128xi32, #tpu.memory_space<hbm>> -> memref<1x2x128xi32, #tpu.memory_space<hbm>>
        %dma_start3A_212 = tpu.memref_squeeze %dma_start3A_211 : memref<1x2x128xi32, #tpu.memory_space<hbm>> -> memref<2x128xi32, #tpu.memory_space<hbm>>
        tpu.enqueue_dma source(%dma_start3A_212 : memref<2x128xi32, #tpu.memory_space<hbm>>) target(%arg7 : memref<2x128xi32, #tpu.memory_space<vmem>>) target_semaphore(%arg16 : memref<!tpu.dma_semaphore, #tpu.memory_space<semaphore_mem>>)
      } else {
      }
    }
    %scan3A_38 = arith.constant 20 : i32
    %dma_wait3A = arith.constant 1 : i32
    %dma_wait3A_39 = arith.constant 0 : i32
    %dma_wait3A_40 = tpu.memref_slice %arg9[%dma_wait3A, %dma_wait3A_39] : memref<2x128xi32, #tpu.memory_space<vmem>> -> memref<1x128xi32, #tpu.memory_space<vmem>>
    %dma_wait3A_41 = tpu.memref_squeeze %dma_wait3A_40 : memref<1x128xi32, #tpu.memory_space<vmem>> -> memref<128xi32, #tpu.memory_space<vmem>>
    %dma_wait3A_42 = arith.constant 0 : i32
    %dma_wait3A_43 = arith.constant 0 : i32
    %dma_wait3A_44 = tpu.memref_slice %arg12[%dma_wait3A_42, %dma_wait3A_43] : memref<10240x128xf32, #tpu.memory_space<vmem_shared>> -> memref<10240x128xf32, #tpu.memory_space<vmem_shared>>
    tpu.wait_indirect_dma semaphore(%arg20 : memref<!tpu.dma_semaphore, #tpu.memory_space<semaphore_mem>>) src(%arg11 : memref<128x128xf32, #tpu.memory_space<vmem>>) dst(%dma_wait3A_44 : memref<10240x128xf32, #tpu.memory_space<vmem_shared>>)
    %barrier3A_45 = arith.constant 0 : index
    tpu.barrier barrier_id(%barrier3A_45)
    "tpu.region"() ({
      %run_scoped3A_46 = tpu.sem_alloc : memref<!tpu.dma_semaphore, #tpu.memory_space<semaphore_mem>>
      %dma_start3A_47 = arith.constant 0 : i32
      %dma_start3A_48 = arith.constant 0 : i32
      %dma_start3A_49 = tpu.memref_slice %arg5[%arg0, %dma_start3A_47, %dma_start3A_48] : memref<2x10240x128xf32, #tpu.memory_space<hbm>> -> memref<1x10240x128xf32, #tpu.memory_space<hbm>>
      %dma_start3A_50 = tpu.memref_squeeze %dma_start3A_49 : memref<1x10240x128xf32, #tpu.memory_space<hbm>> -> memref<10240x128xf32, #tpu.memory_space<hbm>>
      %dma_start3A_51 = arith.constant 0 : i32
      %dma_start3A_52 = tpu.memref_slice %dma_start3A_50[%mul3A_2, %dma_start3A_51] : memref<10240x128xf32, #tpu.memory_space<hbm>> -> memref<640x128xf32, #tpu.memory_space<hbm>>
      %dma_start3A_53 = arith.constant 0 : i32
      %dma_start3A_54 = tpu.memref_slice %arg12[%mul3A_2, %dma_start3A_53] : memref<10240x128xf32, #tpu.memory_space<vmem_shared>> -> memref<640x128xf32, #tpu.memory_space<vmem_shared>>
      tpu.enqueue_dma source(%dma_start3A_54 : memref<640x128xf32, #tpu.memory_space<vmem_shared>>) target(%dma_start3A_52 : memref<640x128xf32, #tpu.memory_space<hbm>>) target_semaphore(%run_scoped3A_46 : memref<!tpu.dma_semaphore, #tpu.memory_space<semaphore_mem>>)
      %dma_wait3A_55 = arith.constant 0 : i32
      %dma_wait3A_56 = arith.constant 0 : i32
      %dma_wait3A_57 = tpu.memref_slice %arg5[%arg0, %dma_wait3A_55, %dma_wait3A_56] : memref<2x10240x128xf32, #tpu.memory_space<hbm>> -> memref<1x10240x128xf32, #tpu.memory_space<hbm>>
      %dma_wait3A_58 = tpu.memref_squeeze %dma_wait3A_57 : memref<1x10240x128xf32, #tpu.memory_space<hbm>> -> memref<10240x128xf32, #tpu.memory_space<hbm>>
      %dma_wait3A_59 = arith.constant 0 : i32
      %dma_wait3A_60 = tpu.memref_slice %dma_wait3A_58[%mul3A_2, %dma_wait3A_59] : memref<10240x128xf32, #tpu.memory_space<hbm>> -> memref<640x128xf32, #tpu.memory_space<hbm>>
      %dma_wait3A_61 = arith.constant 0 : i32
      %dma_wait3A_62 = tpu.memref_slice %arg12[%mul3A_2, %dma_wait3A_61] : memref<10240x128xf32, #tpu.memory_space<vmem_shared>> -> memref<640x128xf32, #tpu.memory_space<vmem_shared>>
      tpu.wait_dma2 semaphore(%run_scoped3A_46 : memref<!tpu.dma_semaphore, #tpu.memory_space<semaphore_mem>>) src(%dma_wait3A_62 : memref<640x128xf32, #tpu.memory_space<vmem_shared>>) dst(%dma_wait3A_60 : memref<640x128xf32, #tpu.memory_space<hbm>>)
      tpu.yield
    }) : () -> ()
    return
  }
}

#map = affine_map<(d0, d1) -> (0, 0)>
#map1 = affine_map<(d0, d1) -> (0, 0, 0, 0)>
#map2 = affine_map<(d0, d1) -> (0, 0, 0)>
module attributes {stable_mosaic.version = 14 : i64} {
  func.func @_agg_body(%arg0: i32, %arg1: i32, %arg2: memref<10000x128xf32, #tpu.memory_space<hbm>>, %arg3: memref<32x80x2x128xi32, #tpu.memory_space<hbm>>, %arg4: memref<10240x128xf32, #tpu.memory_space<hbm>>, %arg5: memref<2x10240x128xf32, #tpu.memory_space<hbm>>, %arg6: memref<2x128xi32, #tpu.memory_space<vmem>>, %arg7: memref<2x128xi32, #tpu.memory_space<vmem>>, %arg8: memref<2x128xi32, #tpu.memory_space<vmem>>, %arg9: memref<2x128xi32, #tpu.memory_space<vmem>>, %arg10: memref<128x128xf32, #tpu.memory_space<vmem>>, %arg11: memref<128x128xf32, #tpu.memory_space<vmem>>, %arg12: memref<10240x128xf32, #tpu.memory_space<vmem_shared>>, %arg13: memref<!tpu.dma_semaphore, #tpu.memory_space<semaphore_mem>>, %arg14: memref<!tpu.dma_semaphore, #tpu.memory_space<semaphore_mem>>, %arg15: memref<!tpu.dma_semaphore, #tpu.memory_space<semaphore_mem>>, %arg16: memref<!tpu.dma_semaphore, #tpu.memory_space<semaphore_mem>>, %arg17: memref<!tpu.dma_semaphore, #tpu.memory_space<semaphore_mem>>, %arg18: memref<!tpu.dma_semaphore, #tpu.memory_space<semaphore_mem>>, %arg19: memref<!tpu.dma_semaphore, #tpu.memory_space<semaphore_mem>>, %arg20: memref<!tpu.dma_semaphore, #tpu.memory_space<semaphore_mem>>) attributes {dimension_semantics = [#tpu.dimension_semantics<core_parallel>, #tpu.dimension_semantics<subcore_parallel>], iteration_bounds = array<i64: 2, 16>, scalar_prefetch = 0 : i64, scratch_operands = 15 : i64, tpu.core_type = #tpu.core_type<sc_vector_subcore>, window_params = [{transform_indices = #map}, {transform_indices = #map1}, {transform_indices = #map}, {transform_indices = #map2}]} {
    %mul3A = arith.constant 2 : i32
    %mul3A_0 = arith.muli %arg1, %mul3A : i32
    %add3A = arith.addi %mul3A_0, %arg0 : i32
    %mul3A_1 = arith.constant 640 : i32
    %mul3A_2 = arith.muli %arg1, %mul3A_1 : i32
    %eq3A = arith.constant 0 : i32
    %eq3A_3 = arith.cmpi eq, %arg0, %eq3A : i32
    %convert_element_type3A = arith.extui %eq3A_3 : i1 to i32
    %cond3A = arith.constant 0 : i32
    %cond3A_4 = arith.cmpi ne, %convert_element_type3A, %cond3A : i32
    scf.if %cond3A_4 {
      %lt3A = arith.constant 15 : i32
      %lt3A_46 = arith.cmpi slt, %arg1, %lt3A : i32
      %convert_element_type3A_47 = arith.extui %lt3A_46 : i1 to i32
      %cond3A_48 = arith.constant 0 : i32
      %cond3A_49 = arith.cmpi ne, %convert_element_type3A_47, %cond3A_48 : i32
      scf.if %cond3A_49 {
        "tpu.region"() ({
          %run_scoped3A_55 = tpu.sem_alloc : memref<!tpu.dma_semaphore, #tpu.memory_space<semaphore_mem>>
          %dma_start3A_56 = arith.constant 0 : i32
          %dma_start3A_57 = tpu.memref_slice %arg12[%mul3A_2, %dma_start3A_56] : memref<10240x128xf32, #tpu.memory_space<vmem_shared>> -> memref<640x128xf32, #tpu.memory_space<vmem_shared>>
          %dma_start3A_58 = arith.constant 0 : i32
          %dma_start3A_59 = tpu.memref_slice %arg2[%mul3A_2, %dma_start3A_58] : memref<10000x128xf32, #tpu.memory_space<hbm>> -> memref<640x128xf32, #tpu.memory_space<hbm>>
          tpu.enqueue_dma source(%dma_start3A_59 : memref<640x128xf32, #tpu.memory_space<hbm>>) target(%dma_start3A_57 : memref<640x128xf32, #tpu.memory_space<vmem_shared>>) target_semaphore(%run_scoped3A_55 : memref<!tpu.dma_semaphore, #tpu.memory_space<semaphore_mem>>)
          %dma_wait3A_60 = arith.constant 0 : i32
          %dma_wait3A_61 = tpu.memref_slice %arg12[%mul3A_2, %dma_wait3A_60] : memref<10240x128xf32, #tpu.memory_space<vmem_shared>> -> memref<640x128xf32, #tpu.memory_space<vmem_shared>>
          %dma_wait3A_62 = arith.constant 0 : i32
          %dma_wait3A_63 = tpu.memref_slice %arg2[%mul3A_2, %dma_wait3A_62] : memref<10000x128xf32, #tpu.memory_space<hbm>> -> memref<640x128xf32, #tpu.memory_space<hbm>>
          tpu.wait_dma2 semaphore(%run_scoped3A_55 : memref<!tpu.dma_semaphore, #tpu.memory_space<semaphore_mem>>) src(%dma_wait3A_63 : memref<640x128xf32, #tpu.memory_space<hbm>>) dst(%dma_wait3A_61 : memref<640x128xf32, #tpu.memory_space<vmem_shared>>)
          tpu.yield
        }) : () -> ()
      } else {
      }
      %eq3A_50 = arith.constant 15 : i32
      %eq3A_51 = arith.cmpi eq, %arg1, %eq3A_50 : i32
      %convert_element_type3A_52 = arith.extui %eq3A_51 : i1 to i32
      %cond3A_53 = arith.constant 0 : i32
      %cond3A_54 = arith.cmpi ne, %convert_element_type3A_52, %cond3A_53 : i32
      scf.if %cond3A_54 {
        "tpu.region"() ({
          %run_scoped3A_55 = tpu.sem_alloc : memref<!tpu.dma_semaphore, #tpu.memory_space<semaphore_mem>>
          %dma_start3A_56 = arith.constant 0 : i32
          %dma_start3A_57 = tpu.memref_slice %arg12[%mul3A_2, %dma_start3A_56] : memref<10240x128xf32, #tpu.memory_space<vmem_shared>> -> memref<400x128xf32, #tpu.memory_space<vmem_shared>>
          %dma_start3A_58 = arith.constant 0 : i32
          %dma_start3A_59 = tpu.memref_slice %arg2[%mul3A_2, %dma_start3A_58] : memref<10000x128xf32, #tpu.memory_space<hbm>> -> memref<400x128xf32, #tpu.memory_space<hbm>>
          tpu.enqueue_dma source(%dma_start3A_59 : memref<400x128xf32, #tpu.memory_space<hbm>>) target(%dma_start3A_57 : memref<400x128xf32, #tpu.memory_space<vmem_shared>>) target_semaphore(%run_scoped3A_55 : memref<!tpu.dma_semaphore, #tpu.memory_space<semaphore_mem>>)
          %dma_wait3A_60 = arith.constant 0 : i32
          %dma_wait3A_61 = tpu.memref_slice %arg12[%mul3A_2, %dma_wait3A_60] : memref<10240x128xf32, #tpu.memory_space<vmem_shared>> -> memref<400x128xf32, #tpu.memory_space<vmem_shared>>
          %dma_wait3A_62 = arith.constant 0 : i32
          %dma_wait3A_63 = tpu.memref_slice %arg2[%mul3A_2, %dma_wait3A_62] : memref<10000x128xf32, #tpu.memory_space<hbm>> -> memref<400x128xf32, #tpu.memory_space<hbm>>
          tpu.wait_dma2 semaphore(%run_scoped3A_55 : memref<!tpu.dma_semaphore, #tpu.memory_space<semaphore_mem>>) src(%dma_wait3A_63 : memref<400x128xf32, #tpu.memory_space<hbm>>) dst(%dma_wait3A_61 : memref<400x128xf32, #tpu.memory_space<vmem_shared>>)
          tpu.yield
        }) : () -> ()
      } else {
      }
    } else {
    }
    %ne3A = arith.constant 0 : i32
    %ne3A_5 = arith.cmpi ne, %arg0, %ne3A : i32
    %convert_element_type3A_6 = arith.extui %ne3A_5 : i1 to i32
    %cond3A_7 = arith.constant 0 : i32
    %cond3A_8 = arith.cmpi ne, %convert_element_type3A_6, %cond3A_7 : i32
    scf.if %cond3A_8 {
      "tpu.region"() ({
        %run_scoped3A_46 = tpu.sem_alloc : memref<!tpu.dma_semaphore, #tpu.memory_space<semaphore_mem>>
        %dma_start3A_47 = arith.constant 0 : i32
        %dma_start3A_48 = tpu.memref_slice %arg12[%mul3A_2, %dma_start3A_47] : memref<10240x128xf32, #tpu.memory_space<vmem_shared>> -> memref<640x128xf32, #tpu.memory_space<vmem_shared>>
        %dma_start3A_49 = arith.constant 0 : i32
        %dma_start3A_50 = tpu.memref_slice %arg4[%mul3A_2, %dma_start3A_49] : memref<10240x128xf32, #tpu.memory_space<hbm>> -> memref<640x128xf32, #tpu.memory_space<hbm>>
        tpu.enqueue_dma source(%dma_start3A_50 : memref<640x128xf32, #tpu.memory_space<hbm>>) target(%dma_start3A_48 : memref<640x128xf32, #tpu.memory_space<vmem_shared>>) target_semaphore(%run_scoped3A_46 : memref<!tpu.dma_semaphore, #tpu.memory_space<semaphore_mem>>)
        %dma_wait3A_51 = arith.constant 0 : i32
        %dma_wait3A_52 = tpu.memref_slice %arg12[%mul3A_2, %dma_wait3A_51] : memref<10240x128xf32, #tpu.memory_space<vmem_shared>> -> memref<640x128xf32, #tpu.memory_space<vmem_shared>>
        %dma_wait3A_53 = arith.constant 0 : i32
        %dma_wait3A_54 = tpu.memref_slice %arg4[%mul3A_2, %dma_wait3A_53] : memref<10240x128xf32, #tpu.memory_space<hbm>> -> memref<640x128xf32, #tpu.memory_space<hbm>>
        tpu.wait_dma2 semaphore(%run_scoped3A_46 : memref<!tpu.dma_semaphore, #tpu.memory_space<semaphore_mem>>) src(%dma_wait3A_54 : memref<640x128xf32, #tpu.memory_space<hbm>>) dst(%dma_wait3A_52 : memref<640x128xf32, #tpu.memory_space<vmem_shared>>)
        tpu.yield
      }) : () -> ()
    } else {
    }
    %run_scoped3A = arith.constant 0 : i32
    "tpu.region"() ({
      %run_scoped3A_46 = tpu.sem_alloc : memref<!tpu.dma_semaphore, #tpu.memory_space<semaphore_mem>>
      %dma_start3A_47 = arith.constant 0 : i32
      %dma_start3A_48 = arith.constant 0 : i32
      %dma_start3A_49 = arith.constant 0 : i32
      %dma_start3A_50 = tpu.memref_slice %arg3[%add3A, %dma_start3A_47, %dma_start3A_48, %dma_start3A_49] : memref<32x80x2x128xi32, #tpu.memory_space<hbm>> -> memref<1x80x2x128xi32, #tpu.memory_space<hbm>>
      %dma_start3A_51 = tpu.memref_squeeze %dma_start3A_50 : memref<1x80x2x128xi32, #tpu.memory_space<hbm>> -> memref<80x2x128xi32, #tpu.memory_space<hbm>>
      %dma_start3A_52 = arith.constant 0 : i32
      %dma_start3A_53 = arith.constant 0 : i32
      %dma_start3A_54 = tpu.memref_slice %dma_start3A_51[%run_scoped3A, %dma_start3A_52, %dma_start3A_53] : memref<80x2x128xi32, #tpu.memory_space<hbm>> -> memref<1x2x128xi32, #tpu.memory_space<hbm>>
      %dma_start3A_55 = tpu.memref_squeeze %dma_start3A_54 : memref<1x2x128xi32, #tpu.memory_space<hbm>> -> memref<2x128xi32, #tpu.memory_space<hbm>>
      %dma_start3A_56 = arith.constant 0 : i32
      %dma_start3A_57 = arith.constant 0 : i32
      %dma_start3A_58 = arith.constant 0 : i32
      %dma_start3A_59 = tpu.memref_slice %arg3[%add3A, %dma_start3A_56, %dma_start3A_57, %dma_start3A_58] : memref<32x80x2x128xi32, #tpu.memory_space<hbm>> -> memref<1x80x2x128xi32, #tpu.memory_space<hbm>>
      %dma_start3A_60 = tpu.memref_squeeze %dma_start3A_59 : memref<1x80x2x128xi32, #tpu.memory_space<hbm>> -> memref<80x2x128xi32, #tpu.memory_space<hbm>>
      %dma_start3A_61 = arith.constant 0 : i32
      %dma_start3A_62 = arith.constant 0 : i32
      %dma_start3A_63 = tpu.memref_slice %dma_start3A_60[%run_scoped3A, %dma_start3A_61, %dma_start3A_62] : memref<80x2x128xi32, #tpu.memory_space<hbm>> -> memref<1x2x128xi32, #tpu.memory_space<hbm>>
      %dma_start3A_64 = tpu.memref_squeeze %dma_start3A_63 : memref<1x2x128xi32, #tpu.memory_space<hbm>> -> memref<2x128xi32, #tpu.memory_space<hbm>>
      tpu.enqueue_dma source(%dma_start3A_64 : memref<2x128xi32, #tpu.memory_space<hbm>>) target(%arg6 : memref<2x128xi32, #tpu.memory_space<vmem>>) target_semaphore(%run_scoped3A_46 : memref<!tpu.dma_semaphore, #tpu.memory_space<semaphore_mem>>)
      %dma_wait3A_65 = arith.constant 0 : i32
      %dma_wait3A_66 = arith.constant 0 : i32
      %dma_wait3A_67 = arith.constant 0 : i32
      %dma_wait3A_68 = tpu.memref_slice %arg3[%add3A, %dma_wait3A_65, %dma_wait3A_66, %dma_wait3A_67] : memref<32x80x2x128xi32, #tpu.memory_space<hbm>> -> memref<1x80x2x128xi32, #tpu.memory_space<hbm>>
      %dma_wait3A_69 = tpu.memref_squeeze %dma_wait3A_68 : memref<1x80x2x128xi32, #tpu.memory_space<hbm>> -> memref<80x2x128xi32, #tpu.memory_space<hbm>>
      %dma_wait3A_70 = arith.constant 0 : i32
      %dma_wait3A_71 = arith.constant 0 : i32
      %dma_wait3A_72 = tpu.memref_slice %dma_wait3A_69[%run_scoped3A, %dma_wait3A_70, %dma_wait3A_71] : memref<80x2x128xi32, #tpu.memory_space<hbm>> -> memref<1x2x128xi32, #tpu.memory_space<hbm>>
      %dma_wait3A_73 = tpu.memref_squeeze %dma_wait3A_72 : memref<1x2x128xi32, #tpu.memory_space<hbm>> -> memref<2x128xi32, #tpu.memory_space<hbm>>
      %dma_wait3A_74 = arith.constant 0 : i32
      %dma_wait3A_75 = arith.constant 0 : i32
      %dma_wait3A_76 = arith.constant 0 : i32
      %dma_wait3A_77 = tpu.memref_slice %arg3[%add3A, %dma_wait3A_74, %dma_wait3A_75, %dma_wait3A_76] : memref<32x80x2x128xi32, #tpu.memory_space<hbm>> -> memref<1x80x2x128xi32, #tpu.memory_space<hbm>>
      %dma_wait3A_78 = tpu.memref_squeeze %dma_wait3A_77 : memref<1x80x2x128xi32, #tpu.memory_space<hbm>> -> memref<80x2x128xi32, #tpu.memory_space<hbm>>
      %dma_wait3A_79 = arith.constant 0 : i32
      %dma_wait3A_80 = arith.constant 0 : i32
      %dma_wait3A_81 = tpu.memref_slice %dma_wait3A_78[%run_scoped3A, %dma_wait3A_79, %dma_wait3A_80] : memref<80x2x128xi32, #tpu.memory_space<hbm>> -> memref<1x2x128xi32, #tpu.memory_space<hbm>>
      %dma_wait3A_82 = tpu.memref_squeeze %dma_wait3A_81 : memref<1x2x128xi32, #tpu.memory_space<hbm>> -> memref<2x128xi32, #tpu.memory_space<hbm>>
      tpu.wait_dma2 semaphore(%run_scoped3A_46 : memref<!tpu.dma_semaphore, #tpu.memory_space<semaphore_mem>>) src(%dma_wait3A_82 : memref<2x128xi32, #tpu.memory_space<hbm>>) dst(%arg6 : memref<2x128xi32, #tpu.memory_space<vmem>>)
      tpu.yield
    }) : () -> ()
    %dma_start3A = arith.constant 0 : i32
    %dma_start3A_9 = arith.constant 0 : i32
    %dma_start3A_10 = tpu.memref_slice %arg6[%dma_start3A, %dma_start3A_9] : memref<2x128xi32, #tpu.memory_space<vmem>> -> memref<1x128xi32, #tpu.memory_space<vmem>>
    %dma_start3A_11 = tpu.memref_squeeze %dma_start3A_10 : memref<1x128xi32, #tpu.memory_space<vmem>> -> memref<128xi32, #tpu.memory_space<vmem>>
    %dma_start3A_12 = arith.constant 0 : i32
    %dma_start3A_13 = arith.constant 0 : i32
    %dma_start3A_14 = tpu.memref_slice %arg2[%dma_start3A_12, %dma_start3A_13] : memref<10000x128xf32, #tpu.memory_space<hbm>> -> memref<10000x128xf32, #tpu.memory_space<hbm>>
    tpu.enqueue_indirect_dma source(%dma_start3A_14 : memref<10000x128xf32, #tpu.memory_space<hbm>>) target(%arg10 : memref<128x128xf32, #tpu.memory_space<vmem>>) offsets(%dma_start3A_11 : memref<128xi32, #tpu.memory_space<vmem>>) semaphore(%arg13 : memref<!tpu.dma_semaphore, #tpu.memory_space<semaphore_mem>>)
    %dma_start3A_15 = arith.constant 1 : i32
    %dma_start3A_16 = arith.constant 0 : i32
    %dma_start3A_17 = arith.constant 0 : i32
    %dma_start3A_18 = arith.constant 0 : i32
    %dma_start3A_19 = tpu.memref_slice %arg3[%add3A, %dma_start3A_16, %dma_start3A_17, %dma_start3A_18] : memref<32x80x2x128xi32, #tpu.memory_space<hbm>> -> memref<1x80x2x128xi32, #tpu.memory_space<hbm>>
    %dma_start3A_20 = tpu.memref_squeeze %dma_start3A_19 : memref<1x80x2x128xi32, #tpu.memory_space<hbm>> -> memref<80x2x128xi32, #tpu.memory_space<hbm>>
    %dma_start3A_21 = arith.constant 0 : i32
    %dma_start3A_22 = arith.constant 0 : i32
    %dma_start3A_23 = tpu.memref_slice %dma_start3A_20[%dma_start3A_15, %dma_start3A_21, %dma_start3A_22] : memref<80x2x128xi32, #tpu.memory_space<hbm>> -> memref<1x2x128xi32, #tpu.memory_space<hbm>>
    %dma_start3A_24 = tpu.memref_squeeze %dma_start3A_23 : memref<1x2x128xi32, #tpu.memory_space<hbm>> -> memref<2x128xi32, #tpu.memory_space<hbm>>
    %dma_start3A_25 = arith.constant 0 : i32
    %dma_start3A_26 = arith.constant 0 : i32
    %dma_start3A_27 = arith.constant 0 : i32
    %dma_start3A_28 = tpu.memref_slice %arg3[%add3A, %dma_start3A_25, %dma_start3A_26, %dma_start3A_27] : memref<32x80x2x128xi32, #tpu.memory_space<hbm>> -> memref<1x80x2x128xi32, #tpu.memory_space<hbm>>
    %dma_start3A_29 = tpu.memref_squeeze %dma_start3A_28 : memref<1x80x2x128xi32, #tpu.memory_space<hbm>> -> memref<80x2x128xi32, #tpu.memory_space<hbm>>
    %dma_start3A_30 = arith.constant 0 : i32
    %dma_start3A_31 = arith.constant 0 : i32
    %dma_start3A_32 = tpu.memref_slice %dma_start3A_29[%dma_start3A_15, %dma_start3A_30, %dma_start3A_31] : memref<80x2x128xi32, #tpu.memory_space<hbm>> -> memref<1x2x128xi32, #tpu.memory_space<hbm>>
    %dma_start3A_33 = tpu.memref_squeeze %dma_start3A_32 : memref<1x2x128xi32, #tpu.memory_space<hbm>> -> memref<2x128xi32, #tpu.memory_space<hbm>>
    tpu.enqueue_dma source(%dma_start3A_33 : memref<2x128xi32, #tpu.memory_space<hbm>>) target(%arg7 : memref<2x128xi32, #tpu.memory_space<vmem>>) target_semaphore(%arg16 : memref<!tpu.dma_semaphore, #tpu.memory_space<semaphore_mem>>)
    %barrier3A = arith.constant 0 : index
    tpu.barrier barrier_id(%barrier3A)
    %scan3A = arith.constant 0 : i32
    %scan3A_34 = arith.constant 0 : i32
    %scan3A_35 = arith.constant 20 : i32
    %scan3A_36 = arith.addi %scan3A_34, %scan3A_35 : i32
    %scan3A_37 = arith.constant 1 : i32
    scf.for %scan3A_46 = %scan3A_34 to %scan3A_36 step %scan3A_37  : i32 {
      %mul3A_47 = arith.constant 4 : i32
      %mul3A_48 = arith.muli %scan3A_46, %mul3A_47 : i32
      %add3A_49 = arith.constant 0 : i32
      %add3A_50 = arith.addi %mul3A_48, %add3A_49 : i32
      %dma_wait3A_51 = arith.constant 0 : i32
      %dma_wait3A_52 = arith.constant 0 : i32
      %dma_wait3A_53 = tpu.memref_slice %arg6[%dma_wait3A_51, %dma_wait3A_52] : memref<2x128xi32, #tpu.memory_space<vmem>> -> memref<1x128xi32, #tpu.memory_space<vmem>>
      %dma_wait3A_54 = tpu.memref_squeeze %dma_wait3A_53 : memref<1x128xi32, #tpu.memory_space<vmem>> -> memref<128xi32, #tpu.memory_space<vmem>>
      %dma_wait3A_55 = arith.constant 0 : i32
      %dma_wait3A_56 = arith.constant 0 : i32
      %dma_wait3A_57 = tpu.memref_slice %arg2[%dma_wait3A_55, %dma_wait3A_56] : memref<10000x128xf32, #tpu.memory_space<hbm>> -> memref<10000x128xf32, #tpu.memory_space<hbm>>
      tpu.wait_indirect_dma semaphore(%arg13 : memref<!tpu.dma_semaphore, #tpu.memory_space<semaphore_mem>>) src(%dma_wait3A_57 : memref<10000x128xf32, #tpu.memory_space<hbm>>) dst(%arg10 : memref<128x128xf32, #tpu.memory_space<vmem>>)
      %dma_start3A_58 = arith.constant 1 : i32
      %dma_start3A_59 = arith.constant 0 : i32
      %dma_start3A_60 = tpu.memref_slice %arg6[%dma_start3A_58, %dma_start3A_59] : memref<2x128xi32, #tpu.memory_space<vmem>> -> memref<1x128xi32, #tpu.memory_space<vmem>>
      %dma_start3A_61 = tpu.memref_squeeze %dma_start3A_60 : memref<1x128xi32, #tpu.memory_space<vmem>> -> memref<128xi32, #tpu.memory_space<vmem>>
      %dma_start3A_62 = arith.constant 0 : i32
      %dma_start3A_63 = arith.constant 0 : i32
      %dma_start3A_64 = tpu.memref_slice %arg12[%dma_start3A_62, %dma_start3A_63] : memref<10240x128xf32, #tpu.memory_space<vmem_shared>> -> memref<10240x128xf32, #tpu.memory_space<vmem_shared>>
      tpu.enqueue_indirect_dma source(%arg10 : memref<128x128xf32, #tpu.memory_space<vmem>>) target(%dma_start3A_64 : memref<10240x128xf32, #tpu.memory_space<vmem_shared>>) offsets(%dma_start3A_61 : memref<128xi32, #tpu.memory_space<vmem>>) semaphore(%arg19 : memref<!tpu.dma_semaphore, #tpu.memory_space<semaphore_mem>>) {add = true}
      %ge3A = arith.constant 1 : i32
      %ge3A_65 = arith.cmpi sge, %add3A_50, %ge3A : i32
      %convert_element_type3A_66 = arith.extui %ge3A_65 : i1 to i32
      %cond3A_67 = arith.constant 0 : i32
      %cond3A_68 = arith.cmpi ne, %convert_element_type3A_66, %cond3A_67 : i32
      scf.if %cond3A_68 {
        %dma_wait3A_193 = arith.constant 1 : i32
        %dma_wait3A_194 = arith.constant 0 : i32
        %dma_wait3A_195 = tpu.memref_slice %arg9[%dma_wait3A_193, %dma_wait3A_194] : memref<2x128xi32, #tpu.memory_space<vmem>> -> memref<1x128xi32, #tpu.memory_space<vmem>>
        %dma_wait3A_196 = tpu.memref_squeeze %dma_wait3A_195 : memref<1x128xi32, #tpu.memory_space<vmem>> -> memref<128xi32, #tpu.memory_space<vmem>>
        %dma_wait3A_197 = arith.constant 0 : i32
        %dma_wait3A_198 = arith.constant 0 : i32
        %dma_wait3A_199 = tpu.memref_slice %arg12[%dma_wait3A_197, %dma_wait3A_198] : memref<10240x128xf32, #tpu.memory_space<vmem_shared>> -> memref<10240x128xf32, #tpu.memory_space<vmem_shared>>
        tpu.wait_indirect_dma semaphore(%arg20 : memref<!tpu.dma_semaphore, #tpu.memory_space<semaphore_mem>>) src(%arg11 : memref<128x128xf32, #tpu.memory_space<vmem>>) dst(%dma_wait3A_199 : memref<10240x128xf32, #tpu.memory_space<vmem_shared>>)
      } else {
      }
      %add3A_69 = arith.constant 1 : i32
      %add3A_70 = arith.addi %add3A_50, %add3A_69 : i32
      %lt3A = arith.constant 80 : i32
      %lt3A_71 = arith.cmpi slt, %add3A_70, %lt3A : i32
      %convert_element_type3A_72 = arith.extui %lt3A_71 : i1 to i32
      %cond3A_73 = arith.constant 0 : i32
      %cond3A_74 = arith.cmpi ne, %convert_element_type3A_72, %cond3A_73 : i32
      scf.if %cond3A_74 {
        %add3A_193 = arith.constant 1 : i32
        %add3A_194 = arith.addi %add3A_50, %add3A_193 : i32
        %dma_wait3A_195 = arith.constant 0 : i32
        %dma_wait3A_196 = arith.constant 0 : i32
        %dma_wait3A_197 = arith.constant 0 : i32
        %dma_wait3A_198 = tpu.memref_slice %arg3[%add3A, %dma_wait3A_195, %dma_wait3A_196, %dma_wait3A_197] : memref<32x80x2x128xi32, #tpu.memory_space<hbm>> -> memref<1x80x2x128xi32, #tpu.memory_space<hbm>>
        %dma_wait3A_199 = tpu.memref_squeeze %dma_wait3A_198 : memref<1x80x2x128xi32, #tpu.memory_space<hbm>> -> memref<80x2x128xi32, #tpu.memory_space<hbm>>
        %dma_wait3A_200 = arith.constant 0 : i32
        %dma_wait3A_201 = arith.constant 0 : i32
        %dma_wait3A_202 = tpu.memref_slice %dma_wait3A_199[%add3A_194, %dma_wait3A_200, %dma_wait3A_201] : memref<80x2x128xi32, #tpu.memory_space<hbm>> -> memref<1x2x128xi32, #tpu.memory_space<hbm>>
        %dma_wait3A_203 = tpu.memref_squeeze %dma_wait3A_202 : memref<1x2x128xi32, #tpu.memory_space<hbm>> -> memref<2x128xi32, #tpu.memory_space<hbm>>
        %dma_wait3A_204 = arith.constant 0 : i32
        %dma_wait3A_205 = arith.constant 0 : i32
        %dma_wait3A_206 = arith.constant 0 : i32
        %dma_wait3A_207 = tpu.memref_slice %arg3[%add3A, %dma_wait3A_204, %dma_wait3A_205, %dma_wait3A_206] : memref<32x80x2x128xi32, #tpu.memory_space<hbm>> -> memref<1x80x2x128xi32, #tpu.memory_space<hbm>>
        %dma_wait3A_208 = tpu.memref_squeeze %dma_wait3A_207 : memref<1x80x2x128xi32, #tpu.memory_space<hbm>> -> memref<80x2x128xi32, #tpu.memory_space<hbm>>
        %dma_wait3A_209 = arith.constant 0 : i32
        %dma_wait3A_210 = arith.constant 0 : i32
        %dma_wait3A_211 = tpu.memref_slice %dma_wait3A_208[%add3A_194, %dma_wait3A_209, %dma_wait3A_210] : memref<80x2x128xi32, #tpu.memory_space<hbm>> -> memref<1x2x128xi32, #tpu.memory_space<hbm>>
        %dma_wait3A_212 = tpu.memref_squeeze %dma_wait3A_211 : memref<1x2x128xi32, #tpu.memory_space<hbm>> -> memref<2x128xi32, #tpu.memory_space<hbm>>
        tpu.wait_dma2 semaphore(%arg16 : memref<!tpu.dma_semaphore, #tpu.memory_space<semaphore_mem>>) src(%dma_wait3A_212 : memref<2x128xi32, #tpu.memory_space<hbm>>) dst(%arg7 : memref<2x128xi32, #tpu.memory_space<vmem>>)
        %dma_start3A_213 = arith.constant 0 : i32
        %dma_start3A_214 = arith.constant 0 : i32
        %dma_start3A_215 = tpu.memref_slice %arg7[%dma_start3A_213, %dma_start3A_214] : memref<2x128xi32, #tpu.memory_space<vmem>> -> memref<1x128xi32, #tpu.memory_space<vmem>>
        %dma_start3A_216 = tpu.memref_squeeze %dma_start3A_215 : memref<1x128xi32, #tpu.memory_space<vmem>> -> memref<128xi32, #tpu.memory_space<vmem>>
        %dma_start3A_217 = arith.constant 0 : i32
        %dma_start3A_218 = arith.constant 0 : i32
        %dma_start3A_219 = tpu.memref_slice %arg2[%dma_start3A_217, %dma_start3A_218] : memref<10000x128xf32, #tpu.memory_space<hbm>> -> memref<10000x128xf32, #tpu.memory_space<hbm>>
        tpu.enqueue_indirect_dma source(%dma_start3A_219 : memref<10000x128xf32, #tpu.memory_space<hbm>>) target(%arg11 : memref<128x128xf32, #tpu.memory_space<vmem>>) offsets(%dma_start3A_216 : memref<128xi32, #tpu.memory_space<vmem>>) semaphore(%arg14 : memref<!tpu.dma_semaphore, #tpu.memory_space<semaphore_mem>>)
      } else {
      }
      %add3A_75 = arith.constant 2 : i32
      %add3A_76 = arith.addi %add3A_50, %add3A_75 : i32
      %lt3A_77 = arith.constant 80 : i32
      %lt3A_78 = arith.cmpi slt, %add3A_76, %lt3A_77 : i32
      %convert_element_type3A_79 = arith.extui %lt3A_78 : i1 to i32
      %cond3A_80 = arith.constant 0 : i32
      %cond3A_81 = arith.cmpi ne, %convert_element_type3A_79, %cond3A_80 : i32
      scf.if %cond3A_81 {
        %add3A_193 = arith.constant 2 : i32
        %add3A_194 = arith.addi %add3A_50, %add3A_193 : i32
        %dma_start3A_195 = arith.constant 0 : i32
        %dma_start3A_196 = arith.constant 0 : i32
        %dma_start3A_197 = arith.constant 0 : i32
        %dma_start3A_198 = tpu.memref_slice %arg3[%add3A, %dma_start3A_195, %dma_start3A_196, %dma_start3A_197] : memref<32x80x2x128xi32, #tpu.memory_space<hbm>> -> memref<1x80x2x128xi32, #tpu.memory_space<hbm>>
        %dma_start3A_199 = tpu.memref_squeeze %dma_start3A_198 : memref<1x80x2x128xi32, #tpu.memory_space<hbm>> -> memref<80x2x128xi32, #tpu.memory_space<hbm>>
        %dma_start3A_200 = arith.constant 0 : i32
        %dma_start3A_201 = arith.constant 0 : i32
        %dma_start3A_202 = tpu.memref_slice %dma_start3A_199[%add3A_194, %dma_start3A_200, %dma_start3A_201] : memref<80x2x128xi32, #tpu.memory_space<hbm>> -> memref<1x2x128xi32, #tpu.memory_space<hbm>>
        %dma_start3A_203 = tpu.memref_squeeze %dma_start3A_202 : memref<1x2x128xi32, #tpu.memory_space<hbm>> -> memref<2x128xi32, #tpu.memory_space<hbm>>
        %dma_start3A_204 = arith.constant 0 : i32
        %dma_start3A_205 = arith.constant 0 : i32
        %dma_start3A_206 = arith.constant 0 : i32
        %dma_start3A_207 = tpu.memref_slice %arg3[%add3A, %dma_start3A_204, %dma_start3A_205, %dma_start3A_206] : memref<32x80x2x128xi32, #tpu.memory_space<hbm>> -> memref<1x80x2x128xi32, #tpu.memory_space<hbm>>
        %dma_start3A_208 = tpu.memref_squeeze %dma_start3A_207 : memref<1x80x2x128xi32, #tpu.memory_space<hbm>> -> memref<80x2x128xi32, #tpu.memory_space<hbm>>
        %dma_start3A_209 = arith.constant 0 : i32
        %dma_start3A_210 = arith.constant 0 : i32
        %dma_start3A_211 = tpu.memref_slice %dma_start3A_208[%add3A_194, %dma_start3A_209, %dma_start3A_210] : memref<80x2x128xi32, #tpu.memory_space<hbm>> -> memref<1x2x128xi32, #tpu.memory_space<hbm>>
        %dma_start3A_212 = tpu.memref_squeeze %dma_start3A_211 : memref<1x2x128xi32, #tpu.memory_space<hbm>> -> memref<2x128xi32, #tpu.memory_space<hbm>>
        tpu.enqueue_dma source(%dma_start3A_212 : memref<2x128xi32, #tpu.memory_space<hbm>>) target(%arg8 : memref<2x128xi32, #tpu.memory_space<vmem>>) target_semaphore(%arg17 : memref<!tpu.dma_semaphore, #tpu.memory_space<semaphore_mem>>)
      } else {
      }
      %mul3A_82 = arith.constant 4 : i32
      %mul3A_83 = arith.muli %scan3A_46, %mul3A_82 : i32
      %add3A_84 = arith.constant 1 : i32
      %add3A_85 = arith.addi %mul3A_83, %add3A_84 : i32
      %dma_wait3A_86 = arith.constant 0 : i32
      %dma_wait3A_87 = arith.constant 0 : i32
      %dma_wait3A_88 = tpu.memref_slice %arg7[%dma_wait3A_86, %dma_wait3A_87] : memref<2x128xi32, #tpu.memory_space<vmem>> -> memref<1x128xi32, #tpu.memory_space<vmem>>
      %dma_wait3A_89 = tpu.memref_squeeze %dma_wait3A_88 : memref<1x128xi32, #tpu.memory_space<vmem>> -> memref<128xi32, #tpu.memory_space<vmem>>
      %dma_wait3A_90 = arith.constant 0 : i32
      %dma_wait3A_91 = arith.constant 0 : i32
      %dma_wait3A_92 = tpu.memref_slice %arg2[%dma_wait3A_90, %dma_wait3A_91] : memref<10000x128xf32, #tpu.memory_space<hbm>> -> memref<10000x128xf32, #tpu.memory_space<hbm>>
      tpu.wait_indirect_dma semaphore(%arg14 : memref<!tpu.dma_semaphore, #tpu.memory_space<semaphore_mem>>) src(%dma_wait3A_92 : memref<10000x128xf32, #tpu.memory_space<hbm>>) dst(%arg11 : memref<128x128xf32, #tpu.memory_space<vmem>>)
      %dma_start3A_93 = arith.constant 1 : i32
      %dma_start3A_94 = arith.constant 0 : i32
      %dma_start3A_95 = tpu.memref_slice %arg7[%dma_start3A_93, %dma_start3A_94] : memref<2x128xi32, #tpu.memory_space<vmem>> -> memref<1x128xi32, #tpu.memory_space<vmem>>
      %dma_start3A_96 = tpu.memref_squeeze %dma_start3A_95 : memref<1x128xi32, #tpu.memory_space<vmem>> -> memref<128xi32, #tpu.memory_space<vmem>>
      %dma_start3A_97 = arith.constant 0 : i32
      %dma_start3A_98 = arith.constant 0 : i32
      %dma_start3A_99 = tpu.memref_slice %arg12[%dma_start3A_97, %dma_start3A_98] : memref<10240x128xf32, #tpu.memory_space<vmem_shared>> -> memref<10240x128xf32, #tpu.memory_space<vmem_shared>>
      tpu.enqueue_indirect_dma source(%arg11 : memref<128x128xf32, #tpu.memory_space<vmem>>) target(%dma_start3A_99 : memref<10240x128xf32, #tpu.memory_space<vmem_shared>>) offsets(%dma_start3A_96 : memref<128xi32, #tpu.memory_space<vmem>>) semaphore(%arg20 : memref<!tpu.dma_semaphore, #tpu.memory_space<semaphore_mem>>) {add = true}
      %ge3A_100 = arith.constant 1 : i32
      %ge3A_101 = arith.cmpi sge, %add3A_85, %ge3A_100 : i32
      %convert_element_type3A_102 = arith.extui %ge3A_101 : i1 to i32
      %cond3A_103 = arith.constant 0 : i32
      %cond3A_104 = arith.cmpi ne, %convert_element_type3A_102, %cond3A_103 : i32
      scf.if %cond3A_104 {
        %dma_wait3A_193 = arith.constant 1 : i32
        %dma_wait3A_194 = arith.constant 0 : i32
        %dma_wait3A_195 = tpu.memref_slice %arg6[%dma_wait3A_193, %dma_wait3A_194] : memref<2x128xi32, #tpu.memory_space<vmem>> -> memref<1x128xi32, #tpu.memory_space<vmem>>
        %dma_wait3A_196 = tpu.memref_squeeze %dma_wait3A_195 : memref<1x128xi32, #tpu.memory_space<vmem>> -> memref<128xi32, #tpu.memory_space<vmem>>
        %dma_wait3A_197 = arith.constant 0 : i32
        %dma_wait3A_198 = arith.constant 0 : i32
        %dma_wait3A_199 = tpu.memref_slice %arg12[%dma_wait3A_197, %dma_wait3A_198] : memref<10240x128xf32, #tpu.memory_space<vmem_shared>> -> memref<10240x128xf32, #tpu.memory_space<vmem_shared>>
        tpu.wait_indirect_dma semaphore(%arg19 : memref<!tpu.dma_semaphore, #tpu.memory_space<semaphore_mem>>) src(%arg10 : memref<128x128xf32, #tpu.memory_space<vmem>>) dst(%dma_wait3A_199 : memref<10240x128xf32, #tpu.memory_space<vmem_shared>>)
      } else {
      }
      %add3A_105 = arith.constant 1 : i32
      %add3A_106 = arith.addi %add3A_85, %add3A_105 : i32
      %lt3A_107 = arith.constant 80 : i32
      %lt3A_108 = arith.cmpi slt, %add3A_106, %lt3A_107 : i32
      %convert_element_type3A_109 = arith.extui %lt3A_108 : i1 to i32
      %cond3A_110 = arith.constant 0 : i32
      %cond3A_111 = arith.cmpi ne, %convert_element_type3A_109, %cond3A_110 : i32
      scf.if %cond3A_111 {
        %add3A_193 = arith.constant 1 : i32
        %add3A_194 = arith.addi %add3A_85, %add3A_193 : i32
        %dma_wait3A_195 = arith.constant 0 : i32
        %dma_wait3A_196 = arith.constant 0 : i32
        %dma_wait3A_197 = arith.constant 0 : i32
        %dma_wait3A_198 = tpu.memref_slice %arg3[%add3A, %dma_wait3A_195, %dma_wait3A_196, %dma_wait3A_197] : memref<32x80x2x128xi32, #tpu.memory_space<hbm>> -> memref<1x80x2x128xi32, #tpu.memory_space<hbm>>
        %dma_wait3A_199 = tpu.memref_squeeze %dma_wait3A_198 : memref<1x80x2x128xi32, #tpu.memory_space<hbm>> -> memref<80x2x128xi32, #tpu.memory_space<hbm>>
        %dma_wait3A_200 = arith.constant 0 : i32
        %dma_wait3A_201 = arith.constant 0 : i32
        %dma_wait3A_202 = tpu.memref_slice %dma_wait3A_199[%add3A_194, %dma_wait3A_200, %dma_wait3A_201] : memref<80x2x128xi32, #tpu.memory_space<hbm>> -> memref<1x2x128xi32, #tpu.memory_space<hbm>>
        %dma_wait3A_203 = tpu.memref_squeeze %dma_wait3A_202 : memref<1x2x128xi32, #tpu.memory_space<hbm>> -> memref<2x128xi32, #tpu.memory_space<hbm>>
        %dma_wait3A_204 = arith.constant 0 : i32
        %dma_wait3A_205 = arith.constant 0 : i32
        %dma_wait3A_206 = arith.constant 0 : i32
        %dma_wait3A_207 = tpu.memref_slice %arg3[%add3A, %dma_wait3A_204, %dma_wait3A_205, %dma_wait3A_206] : memref<32x80x2x128xi32, #tpu.memory_space<hbm>> -> memref<1x80x2x128xi32, #tpu.memory_space<hbm>>
        %dma_wait3A_208 = tpu.memref_squeeze %dma_wait3A_207 : memref<1x80x2x128xi32, #tpu.memory_space<hbm>> -> memref<80x2x128xi32, #tpu.memory_space<hbm>>
        %dma_wait3A_209 = arith.constant 0 : i32
        %dma_wait3A_210 = arith.constant 0 : i32
        %dma_wait3A_211 = tpu.memref_slice %dma_wait3A_208[%add3A_194, %dma_wait3A_209, %dma_wait3A_210] : memref<80x2x128xi32, #tpu.memory_space<hbm>> -> memref<1x2x128xi32, #tpu.memory_space<hbm>>
        %dma_wait3A_212 = tpu.memref_squeeze %dma_wait3A_211 : memref<1x2x128xi32, #tpu.memory_space<hbm>> -> memref<2x128xi32, #tpu.memory_space<hbm>>
        tpu.wait_dma2 semaphore(%arg17 : memref<!tpu.dma_semaphore, #tpu.memory_space<semaphore_mem>>) src(%dma_wait3A_212 : memref<2x128xi32, #tpu.memory_space<hbm>>) dst(%arg8 : memref<2x128xi32, #tpu.memory_space<vmem>>)
        %dma_start3A_213 = arith.constant 0 : i32
        %dma_start3A_214 = arith.constant 0 : i32
        %dma_start3A_215 = tpu.memref_slice %arg8[%dma_start3A_213, %dma_start3A_214] : memref<2x128xi32, #tpu.memory_space<vmem>> -> memref<1x128xi32, #tpu.memory_space<vmem>>
        %dma_start3A_216 = tpu.memref_squeeze %dma_start3A_215 : memref<1x128xi32, #tpu.memory_space<vmem>> -> memref<128xi32, #tpu.memory_space<vmem>>
        %dma_start3A_217 = arith.constant 0 : i32
        %dma_start3A_218 = arith.constant 0 : i32
        %dma_start3A_219 = tpu.memref_slice %arg2[%dma_start3A_217, %dma_start3A_218] : memref<10000x128xf32, #tpu.memory_space<hbm>> -> memref<10000x128xf32, #tpu.memory_space<hbm>>
        tpu.enqueue_indirect_dma source(%dma_start3A_219 : memref<10000x128xf32, #tpu.memory_space<hbm>>) target(%arg10 : memref<128x128xf32, #tpu.memory_space<vmem>>) offsets(%dma_start3A_216 : memref<128xi32, #tpu.memory_space<vmem>>) semaphore(%arg13 : memref<!tpu.dma_semaphore, #tpu.memory_space<semaphore_mem>>)
      } else {
      }
      %add3A_112 = arith.constant 2 : i32
      %add3A_113 = arith.addi %add3A_85, %add3A_112 : i32
      %lt3A_114 = arith.constant 80 : i32
      %lt3A_115 = arith.cmpi slt, %add3A_113, %lt3A_114 : i32
      %convert_element_type3A_116 = arith.extui %lt3A_115 : i1 to i32
      %cond3A_117 = arith.constant 0 : i32
      %cond3A_118 = arith.cmpi ne, %convert_element_type3A_116, %cond3A_117 : i32
      scf.if %cond3A_118 {
        %add3A_193 = arith.constant 2 : i32
        %add3A_194 = arith.addi %add3A_85, %add3A_193 : i32
        %dma_start3A_195 = arith.constant 0 : i32
        %dma_start3A_196 = arith.constant 0 : i32
        %dma_start3A_197 = arith.constant 0 : i32
        %dma_start3A_198 = tpu.memref_slice %arg3[%add3A, %dma_start3A_195, %dma_start3A_196, %dma_start3A_197] : memref<32x80x2x128xi32, #tpu.memory_space<hbm>> -> memref<1x80x2x128xi32, #tpu.memory_space<hbm>>
        %dma_start3A_199 = tpu.memref_squeeze %dma_start3A_198 : memref<1x80x2x128xi32, #tpu.memory_space<hbm>> -> memref<80x2x128xi32, #tpu.memory_space<hbm>>
        %dma_start3A_200 = arith.constant 0 : i32
        %dma_start3A_201 = arith.constant 0 : i32
        %dma_start3A_202 = tpu.memref_slice %dma_start3A_199[%add3A_194, %dma_start3A_200, %dma_start3A_201] : memref<80x2x128xi32, #tpu.memory_space<hbm>> -> memref<1x2x128xi32, #tpu.memory_space<hbm>>
        %dma_start3A_203 = tpu.memref_squeeze %dma_start3A_202 : memref<1x2x128xi32, #tpu.memory_space<hbm>> -> memref<2x128xi32, #tpu.memory_space<hbm>>
        %dma_start3A_204 = arith.constant 0 : i32
        %dma_start3A_205 = arith.constant 0 : i32
        %dma_start3A_206 = arith.constant 0 : i32
        %dma_start3A_207 = tpu.memref_slice %arg3[%add3A, %dma_start3A_204, %dma_start3A_205, %dma_start3A_206] : memref<32x80x2x128xi32, #tpu.memory_space<hbm>> -> memref<1x80x2x128xi32, #tpu.memory_space<hbm>>
        %dma_start3A_208 = tpu.memref_squeeze %dma_start3A_207 : memref<1x80x2x128xi32, #tpu.memory_space<hbm>> -> memref<80x2x128xi32, #tpu.memory_space<hbm>>
        %dma_start3A_209 = arith.constant 0 : i32
        %dma_start3A_210 = arith.constant 0 : i32
        %dma_start3A_211 = tpu.memref_slice %dma_start3A_208[%add3A_194, %dma_start3A_209, %dma_start3A_210] : memref<80x2x128xi32, #tpu.memory_space<hbm>> -> memref<1x2x128xi32, #tpu.memory_space<hbm>>
        %dma_start3A_212 = tpu.memref_squeeze %dma_start3A_211 : memref<1x2x128xi32, #tpu.memory_space<hbm>> -> memref<2x128xi32, #tpu.memory_space<hbm>>
        tpu.enqueue_dma source(%dma_start3A_212 : memref<2x128xi32, #tpu.memory_space<hbm>>) target(%arg9 : memref<2x128xi32, #tpu.memory_space<vmem>>) target_semaphore(%arg18 : memref<!tpu.dma_semaphore, #tpu.memory_space<semaphore_mem>>)
      } else {
      }
      %mul3A_119 = arith.constant 4 : i32
      %mul3A_120 = arith.muli %scan3A_46, %mul3A_119 : i32
      %add3A_121 = arith.constant 2 : i32
      %add3A_122 = arith.addi %mul3A_120, %add3A_121 : i32
      %dma_wait3A_123 = arith.constant 0 : i32
      %dma_wait3A_124 = arith.constant 0 : i32
      %dma_wait3A_125 = tpu.memref_slice %arg8[%dma_wait3A_123, %dma_wait3A_124] : memref<2x128xi32, #tpu.memory_space<vmem>> -> memref<1x128xi32, #tpu.memory_space<vmem>>
      %dma_wait3A_126 = tpu.memref_squeeze %dma_wait3A_125 : memref<1x128xi32, #tpu.memory_space<vmem>> -> memref<128xi32, #tpu.memory_space<vmem>>
      %dma_wait3A_127 = arith.constant 0 : i32
      %dma_wait3A_128 = arith.constant 0 : i32
      %dma_wait3A_129 = tpu.memref_slice %arg2[%dma_wait3A_127, %dma_wait3A_128] : memref<10000x128xf32, #tpu.memory_space<hbm>> -> memref<10000x128xf32, #tpu.memory_space<hbm>>
      tpu.wait_indirect_dma semaphore(%arg13 : memref<!tpu.dma_semaphore, #tpu.memory_space<semaphore_mem>>) src(%dma_wait3A_129 : memref<10000x128xf32, #tpu.memory_space<hbm>>) dst(%arg10 : memref<128x128xf32, #tpu.memory_space<vmem>>)
      %dma_start3A_130 = arith.constant 1 : i32
      %dma_start3A_131 = arith.constant 0 : i32
      %dma_start3A_132 = tpu.memref_slice %arg8[%dma_start3A_130, %dma_start3A_131] : memref<2x128xi32, #tpu.memory_space<vmem>> -> memref<1x128xi32, #tpu.memory_space<vmem>>
      %dma_start3A_133 = tpu.memref_squeeze %dma_start3A_132 : memref<1x128xi32, #tpu.memory_space<vmem>> -> memref<128xi32, #tpu.memory_space<vmem>>
      %dma_start3A_134 = arith.constant 0 : i32
      %dma_start3A_135 = arith.constant 0 : i32
      %dma_start3A_136 = tpu.memref_slice %arg12[%dma_start3A_134, %dma_start3A_135] : memref<10240x128xf32, #tpu.memory_space<vmem_shared>> -> memref<10240x128xf32, #tpu.memory_space<vmem_shared>>
      tpu.enqueue_indirect_dma source(%arg10 : memref<128x128xf32, #tpu.memory_space<vmem>>) target(%dma_start3A_136 : memref<10240x128xf32, #tpu.memory_space<vmem_shared>>) offsets(%dma_start3A_133 : memref<128xi32, #tpu.memory_space<vmem>>) semaphore(%arg19 : memref<!tpu.dma_semaphore, #tpu.memory_space<semaphore_mem>>) {add = true}
      %ge3A_137 = arith.constant 1 : i32
      %ge3A_138 = arith.cmpi sge, %add3A_122, %ge3A_137 : i32
      %convert_element_type3A_139 = arith.extui %ge3A_138 : i1 to i32
      %cond3A_140 = arith.constant 0 : i32
      %cond3A_141 = arith.cmpi ne, %convert_element_type3A_139, %cond3A_140 : i32
      scf.if %cond3A_141 {
        %dma_wait3A_193 = arith.constant 1 : i32
        %dma_wait3A_194 = arith.constant 0 : i32
        %dma_wait3A_195 = tpu.memref_slice %arg7[%dma_wait3A_193, %dma_wait3A_194] : memref<2x128xi32, #tpu.memory_space<vmem>> -> memref<1x128xi32, #tpu.memory_space<vmem>>
        %dma_wait3A_196 = tpu.memref_squeeze %dma_wait3A_195 : memref<1x128xi32, #tpu.memory_space<vmem>> -> memref<128xi32, #tpu.memory_space<vmem>>
        %dma_wait3A_197 = arith.constant 0 : i32
        %dma_wait3A_198 = arith.constant 0 : i32
        %dma_wait3A_199 = tpu.memref_slice %arg12[%dma_wait3A_197, %dma_wait3A_198] : memref<10240x128xf32, #tpu.memory_space<vmem_shared>> -> memref<10240x128xf32, #tpu.memory_space<vmem_shared>>
        tpu.wait_indirect_dma semaphore(%arg20 : memref<!tpu.dma_semaphore, #tpu.memory_space<semaphore_mem>>) src(%arg11 : memref<128x128xf32, #tpu.memory_space<vmem>>) dst(%dma_wait3A_199 : memref<10240x128xf32, #tpu.memory_space<vmem_shared>>)
      } else {
      }
      %add3A_142 = arith.constant 1 : i32
      %add3A_143 = arith.addi %add3A_122, %add3A_142 : i32
      %lt3A_144 = arith.constant 80 : i32
      %lt3A_145 = arith.cmpi slt, %add3A_143, %lt3A_144 : i32
      %convert_element_type3A_146 = arith.extui %lt3A_145 : i1 to i32
      %cond3A_147 = arith.constant 0 : i32
      %cond3A_148 = arith.cmpi ne, %convert_element_type3A_146, %cond3A_147 : i32
      scf.if %cond3A_148 {
        %add3A_193 = arith.constant 1 : i32
        %add3A_194 = arith.addi %add3A_122, %add3A_193 : i32
        %dma_wait3A_195 = arith.constant 0 : i32
        %dma_wait3A_196 = arith.constant 0 : i32
        %dma_wait3A_197 = arith.constant 0 : i32
        %dma_wait3A_198 = tpu.memref_slice %arg3[%add3A, %dma_wait3A_195, %dma_wait3A_196, %dma_wait3A_197] : memref<32x80x2x128xi32, #tpu.memory_space<hbm>> -> memref<1x80x2x128xi32, #tpu.memory_space<hbm>>
        %dma_wait3A_199 = tpu.memref_squeeze %dma_wait3A_198 : memref<1x80x2x128xi32, #tpu.memory_space<hbm>> -> memref<80x2x128xi32, #tpu.memory_space<hbm>>
        %dma_wait3A_200 = arith.constant 0 : i32
        %dma_wait3A_201 = arith.constant 0 : i32
        %dma_wait3A_202 = tpu.memref_slice %dma_wait3A_199[%add3A_194, %dma_wait3A_200, %dma_wait3A_201] : memref<80x2x128xi32, #tpu.memory_space<hbm>> -> memref<1x2x128xi32, #tpu.memory_space<hbm>>
        %dma_wait3A_203 = tpu.memref_squeeze %dma_wait3A_202 : memref<1x2x128xi32, #tpu.memory_space<hbm>> -> memref<2x128xi32, #tpu.memory_space<hbm>>
        %dma_wait3A_204 = arith.constant 0 : i32
        %dma_wait3A_205 = arith.constant 0 : i32
        %dma_wait3A_206 = arith.constant 0 : i32
        %dma_wait3A_207 = tpu.memref_slice %arg3[%add3A, %dma_wait3A_204, %dma_wait3A_205, %dma_wait3A_206] : memref<32x80x2x128xi32, #tpu.memory_space<hbm>> -> memref<1x80x2x128xi32, #tpu.memory_space<hbm>>
        %dma_wait3A_208 = tpu.memref_squeeze %dma_wait3A_207 : memref<1x80x2x128xi32, #tpu.memory_space<hbm>> -> memref<80x2x128xi32, #tpu.memory_space<hbm>>
        %dma_wait3A_209 = arith.constant 0 : i32
        %dma_wait3A_210 = arith.constant 0 : i32
        %dma_wait3A_211 = tpu.memref_slice %dma_wait3A_208[%add3A_194, %dma_wait3A_209, %dma_wait3A_210] : memref<80x2x128xi32, #tpu.memory_space<hbm>> -> memref<1x2x128xi32, #tpu.memory_space<hbm>>
        %dma_wait3A_212 = tpu.memref_squeeze %dma_wait3A_211 : memref<1x2x128xi32, #tpu.memory_space<hbm>> -> memref<2x128xi32, #tpu.memory_space<hbm>>
        tpu.wait_dma2 semaphore(%arg18 : memref<!tpu.dma_semaphore, #tpu.memory_space<semaphore_mem>>) src(%dma_wait3A_212 : memref<2x128xi32, #tpu.memory_space<hbm>>) dst(%arg9 : memref<2x128xi32, #tpu.memory_space<vmem>>)
        %dma_start3A_213 = arith.constant 0 : i32
        %dma_start3A_214 = arith.constant 0 : i32
        %dma_start3A_215 = tpu.memref_slice %arg9[%dma_start3A_213, %dma_start3A_214] : memref<2x128xi32, #tpu.memory_space<vmem>> -> memref<1x128xi32, #tpu.memory_space<vmem>>
        %dma_start3A_216 = tpu.memref_squeeze %dma_start3A_215 : memref<1x128xi32, #tpu.memory_space<vmem>> -> memref<128xi32, #tpu.memory_space<vmem>>
        %dma_start3A_217 = arith.constant 0 : i32
        %dma_start3A_218 = arith.constant 0 : i32
        %dma_start3A_219 = tpu.memref_slice %arg2[%dma_start3A_217, %dma_start3A_218] : memref<10000x128xf32, #tpu.memory_space<hbm>> -> memref<10000x128xf32, #tpu.memory_space<hbm>>
        tpu.enqueue_indirect_dma source(%dma_start3A_219 : memref<10000x128xf32, #tpu.memory_space<hbm>>) target(%arg11 : memref<128x128xf32, #tpu.memory_space<vmem>>) offsets(%dma_start3A_216 : memref<128xi32, #tpu.memory_space<vmem>>) semaphore(%arg14 : memref<!tpu.dma_semaphore, #tpu.memory_space<semaphore_mem>>)
      } else {
      }
      %add3A_149 = arith.constant 2 : i32
      %add3A_150 = arith.addi %add3A_122, %add3A_149 : i32
      %lt3A_151 = arith.constant 80 : i32
      %lt3A_152 = arith.cmpi slt, %add3A_150, %lt3A_151 : i32
      %convert_element_type3A_153 = arith.extui %lt3A_152 : i1 to i32
      %cond3A_154 = arith.constant 0 : i32
      %cond3A_155 = arith.cmpi ne, %convert_element_type3A_153, %cond3A_154 : i32
      scf.if %cond3A_155 {
        %add3A_193 = arith.constant 2 : i32
        %add3A_194 = arith.addi %add3A_122, %add3A_193 : i32
        %dma_start3A_195 = arith.constant 0 : i32
        %dma_start3A_196 = arith.constant 0 : i32
        %dma_start3A_197 = arith.constant 0 : i32
        %dma_start3A_198 = tpu.memref_slice %arg3[%add3A, %dma_start3A_195, %dma_start3A_196, %dma_start3A_197] : memref<32x80x2x128xi32, #tpu.memory_space<hbm>> -> memref<1x80x2x128xi32, #tpu.memory_space<hbm>>
        %dma_start3A_199 = tpu.memref_squeeze %dma_start3A_198 : memref<1x80x2x128xi32, #tpu.memory_space<hbm>> -> memref<80x2x128xi32, #tpu.memory_space<hbm>>
        %dma_start3A_200 = arith.constant 0 : i32
        %dma_start3A_201 = arith.constant 0 : i32
        %dma_start3A_202 = tpu.memref_slice %dma_start3A_199[%add3A_194, %dma_start3A_200, %dma_start3A_201] : memref<80x2x128xi32, #tpu.memory_space<hbm>> -> memref<1x2x128xi32, #tpu.memory_space<hbm>>
        %dma_start3A_203 = tpu.memref_squeeze %dma_start3A_202 : memref<1x2x128xi32, #tpu.memory_space<hbm>> -> memref<2x128xi32, #tpu.memory_space<hbm>>
        %dma_start3A_204 = arith.constant 0 : i32
        %dma_start3A_205 = arith.constant 0 : i32
        %dma_start3A_206 = arith.constant 0 : i32
        %dma_start3A_207 = tpu.memref_slice %arg3[%add3A, %dma_start3A_204, %dma_start3A_205, %dma_start3A_206] : memref<32x80x2x128xi32, #tpu.memory_space<hbm>> -> memref<1x80x2x128xi32, #tpu.memory_space<hbm>>
        %dma_start3A_208 = tpu.memref_squeeze %dma_start3A_207 : memref<1x80x2x128xi32, #tpu.memory_space<hbm>> -> memref<80x2x128xi32, #tpu.memory_space<hbm>>
        %dma_start3A_209 = arith.constant 0 : i32
        %dma_start3A_210 = arith.constant 0 : i32
        %dma_start3A_211 = tpu.memref_slice %dma_start3A_208[%add3A_194, %dma_start3A_209, %dma_start3A_210] : memref<80x2x128xi32, #tpu.memory_space<hbm>> -> memref<1x2x128xi32, #tpu.memory_space<hbm>>
        %dma_start3A_212 = tpu.memref_squeeze %dma_start3A_211 : memref<1x2x128xi32, #tpu.memory_space<hbm>> -> memref<2x128xi32, #tpu.memory_space<hbm>>
        tpu.enqueue_dma source(%dma_start3A_212 : memref<2x128xi32, #tpu.memory_space<hbm>>) target(%arg6 : memref<2x128xi32, #tpu.memory_space<vmem>>) target_semaphore(%arg15 : memref<!tpu.dma_semaphore, #tpu.memory_space<semaphore_mem>>)
      } else {
      }
      %mul3A_156 = arith.constant 4 : i32
      %mul3A_157 = arith.muli %scan3A_46, %mul3A_156 : i32
      %add3A_158 = arith.constant 3 : i32
      %add3A_159 = arith.addi %mul3A_157, %add3A_158 : i32
      %dma_wait3A_160 = arith.constant 0 : i32
      %dma_wait3A_161 = arith.constant 0 : i32
      %dma_wait3A_162 = tpu.memref_slice %arg9[%dma_wait3A_160, %dma_wait3A_161] : memref<2x128xi32, #tpu.memory_space<vmem>> -> memref<1x128xi32, #tpu.memory_space<vmem>>
      %dma_wait3A_163 = tpu.memref_squeeze %dma_wait3A_162 : memref<1x128xi32, #tpu.memory_space<vmem>> -> memref<128xi32, #tpu.memory_space<vmem>>
      %dma_wait3A_164 = arith.constant 0 : i32
      %dma_wait3A_165 = arith.constant 0 : i32
      %dma_wait3A_166 = tpu.memref_slice %arg2[%dma_wait3A_164, %dma_wait3A_165] : memref<10000x128xf32, #tpu.memory_space<hbm>> -> memref<10000x128xf32, #tpu.memory_space<hbm>>
      tpu.wait_indirect_dma semaphore(%arg14 : memref<!tpu.dma_semaphore, #tpu.memory_space<semaphore_mem>>) src(%dma_wait3A_166 : memref<10000x128xf32, #tpu.memory_space<hbm>>) dst(%arg11 : memref<128x128xf32, #tpu.memory_space<vmem>>)
      %dma_start3A_167 = arith.constant 1 : i32
      %dma_start3A_168 = arith.constant 0 : i32
      %dma_start3A_169 = tpu.memref_slice %arg9[%dma_start3A_167, %dma_start3A_168] : memref<2x128xi32, #tpu.memory_space<vmem>> -> memref<1x128xi32, #tpu.memory_space<vmem>>
      %dma_start3A_170 = tpu.memref_squeeze %dma_start3A_169 : memref<1x128xi32, #tpu.memory_space<vmem>> -> memref<128xi32, #tpu.memory_space<vmem>>
      %dma_start3A_171 = arith.constant 0 : i32
      %dma_start3A_172 = arith.constant 0 : i32
      %dma_start3A_173 = tpu.memref_slice %arg12[%dma_start3A_171, %dma_start3A_172] : memref<10240x128xf32, #tpu.memory_space<vmem_shared>> -> memref<10240x128xf32, #tpu.memory_space<vmem_shared>>
      tpu.enqueue_indirect_dma source(%arg11 : memref<128x128xf32, #tpu.memory_space<vmem>>) target(%dma_start3A_173 : memref<10240x128xf32, #tpu.memory_space<vmem_shared>>) offsets(%dma_start3A_170 : memref<128xi32, #tpu.memory_space<vmem>>) semaphore(%arg20 : memref<!tpu.dma_semaphore, #tpu.memory_space<semaphore_mem>>) {add = true}
      %ge3A_174 = arith.constant 1 : i32
      %ge3A_175 = arith.cmpi sge, %add3A_159, %ge3A_174 : i32
      %convert_element_type3A_176 = arith.extui %ge3A_175 : i1 to i32
      %cond3A_177 = arith.constant 0 : i32
      %cond3A_178 = arith.cmpi ne, %convert_element_type3A_176, %cond3A_177 : i32
      scf.if %cond3A_178 {
        %dma_wait3A_193 = arith.constant 1 : i32
        %dma_wait3A_194 = arith.constant 0 : i32
        %dma_wait3A_195 = tpu.memref_slice %arg8[%dma_wait3A_193, %dma_wait3A_194] : memref<2x128xi32, #tpu.memory_space<vmem>> -> memref<1x128xi32, #tpu.memory_space<vmem>>
        %dma_wait3A_196 = tpu.memref_squeeze %dma_wait3A_195 : memref<1x128xi32, #tpu.memory_space<vmem>> -> memref<128xi32, #tpu.memory_space<vmem>>
        %dma_wait3A_197 = arith.constant 0 : i32
        %dma_wait3A_198 = arith.constant 0 : i32
        %dma_wait3A_199 = tpu.memref_slice %arg12[%dma_wait3A_197, %dma_wait3A_198] : memref<10240x128xf32, #tpu.memory_space<vmem_shared>> -> memref<10240x128xf32, #tpu.memory_space<vmem_shared>>
        tpu.wait_indirect_dma semaphore(%arg19 : memref<!tpu.dma_semaphore, #tpu.memory_space<semaphore_mem>>) src(%arg10 : memref<128x128xf32, #tpu.memory_space<vmem>>) dst(%dma_wait3A_199 : memref<10240x128xf32, #tpu.memory_space<vmem_shared>>)
      } else {
      }
      %add3A_179 = arith.constant 1 : i32
      %add3A_180 = arith.addi %add3A_159, %add3A_179 : i32
      %lt3A_181 = arith.constant 80 : i32
      %lt3A_182 = arith.cmpi slt, %add3A_180, %lt3A_181 : i32
      %convert_element_type3A_183 = arith.extui %lt3A_182 : i1 to i32
      %cond3A_184 = arith.constant 0 : i32
      %cond3A_185 = arith.cmpi ne, %convert_element_type3A_183, %cond3A_184 : i32
      scf.if %cond3A_185 {
        %add3A_193 = arith.constant 1 : i32
        %add3A_194 = arith.addi %add3A_159, %add3A_193 : i32
        %dma_wait3A_195 = arith.constant 0 : i32
        %dma_wait3A_196 = arith.constant 0 : i32
        %dma_wait3A_197 = arith.constant 0 : i32
        %dma_wait3A_198 = tpu.memref_slice %arg3[%add3A, %dma_wait3A_195, %dma_wait3A_196, %dma_wait3A_197] : memref<32x80x2x128xi32, #tpu.memory_space<hbm>> -> memref<1x80x2x128xi32, #tpu.memory_space<hbm>>
        %dma_wait3A_199 = tpu.memref_squeeze %dma_wait3A_198 : memref<1x80x2x128xi32, #tpu.memory_space<hbm>> -> memref<80x2x128xi32, #tpu.memory_space<hbm>>
        %dma_wait3A_200 = arith.constant 0 : i32
        %dma_wait3A_201 = arith.constant 0 : i32
        %dma_wait3A_202 = tpu.memref_slice %dma_wait3A_199[%add3A_194, %dma_wait3A_200, %dma_wait3A_201] : memref<80x2x128xi32, #tpu.memory_space<hbm>> -> memref<1x2x128xi32, #tpu.memory_space<hbm>>
        %dma_wait3A_203 = tpu.memref_squeeze %dma_wait3A_202 : memref<1x2x128xi32, #tpu.memory_space<hbm>> -> memref<2x128xi32, #tpu.memory_space<hbm>>
        %dma_wait3A_204 = arith.constant 0 : i32
        %dma_wait3A_205 = arith.constant 0 : i32
        %dma_wait3A_206 = arith.constant 0 : i32
        %dma_wait3A_207 = tpu.memref_slice %arg3[%add3A, %dma_wait3A_204, %dma_wait3A_205, %dma_wait3A_206] : memref<32x80x2x128xi32, #tpu.memory_space<hbm>> -> memref<1x80x2x128xi32, #tpu.memory_space<hbm>>
        %dma_wait3A_208 = tpu.memref_squeeze %dma_wait3A_207 : memref<1x80x2x128xi32, #tpu.memory_space<hbm>> -> memref<80x2x128xi32, #tpu.memory_space<hbm>>
        %dma_wait3A_209 = arith.constant 0 : i32
        %dma_wait3A_210 = arith.constant 0 : i32
        %dma_wait3A_211 = tpu.memref_slice %dma_wait3A_208[%add3A_194, %dma_wait3A_209, %dma_wait3A_210] : memref<80x2x128xi32, #tpu.memory_space<hbm>> -> memref<1x2x128xi32, #tpu.memory_space<hbm>>
        %dma_wait3A_212 = tpu.memref_squeeze %dma_wait3A_211 : memref<1x2x128xi32, #tpu.memory_space<hbm>> -> memref<2x128xi32, #tpu.memory_space<hbm>>
        tpu.wait_dma2 semaphore(%arg15 : memref<!tpu.dma_semaphore, #tpu.memory_space<semaphore_mem>>) src(%dma_wait3A_212 : memref<2x128xi32, #tpu.memory_space<hbm>>) dst(%arg6 : memref<2x128xi32, #tpu.memory_space<vmem>>)
        %dma_start3A_213 = arith.constant 0 : i32
        %dma_start3A_214 = arith.constant 0 : i32
        %dma_start3A_215 = tpu.memref_slice %arg6[%dma_start3A_213, %dma_start3A_214] : memref<2x128xi32, #tpu.memory_space<vmem>> -> memref<1x128xi32, #tpu.memory_space<vmem>>
        %dma_start3A_216 = tpu.memref_squeeze %dma_start3A_215 : memref<1x128xi32, #tpu.memory_space<vmem>> -> memref<128xi32, #tpu.memory_space<vmem>>
        %dma_start3A_217 = arith.constant 0 : i32
        %dma_start3A_218 = arith.constant 0 : i32
        %dma_start3A_219 = tpu.memref_slice %arg2[%dma_start3A_217, %dma_start3A_218] : memref<10000x128xf32, #tpu.memory_space<hbm>> -> memref<10000x128xf32, #tpu.memory_space<hbm>>
        tpu.enqueue_indirect_dma source(%dma_start3A_219 : memref<10000x128xf32, #tpu.memory_space<hbm>>) target(%arg10 : memref<128x128xf32, #tpu.memory_space<vmem>>) offsets(%dma_start3A_216 : memref<128xi32, #tpu.memory_space<vmem>>) semaphore(%arg13 : memref<!tpu.dma_semaphore, #tpu.memory_space<semaphore_mem>>)
      } else {
      }
      %add3A_186 = arith.constant 2 : i32
      %add3A_187 = arith.addi %add3A_159, %add3A_186 : i32
      %lt3A_188 = arith.constant 80 : i32
      %lt3A_189 = arith.cmpi slt, %add3A_187, %lt3A_188 : i32
      %convert_element_type3A_190 = arith.extui %lt3A_189 : i1 to i32
      %cond3A_191 = arith.constant 0 : i32
      %cond3A_192 = arith.cmpi ne, %convert_element_type3A_190, %cond3A_191 : i32
      scf.if %cond3A_192 {
        %add3A_193 = arith.constant 2 : i32
        %add3A_194 = arith.addi %add3A_159, %add3A_193 : i32
        %dma_start3A_195 = arith.constant 0 : i32
        %dma_start3A_196 = arith.constant 0 : i32
        %dma_start3A_197 = arith.constant 0 : i32
        %dma_start3A_198 = tpu.memref_slice %arg3[%add3A, %dma_start3A_195, %dma_start3A_196, %dma_start3A_197] : memref<32x80x2x128xi32, #tpu.memory_space<hbm>> -> memref<1x80x2x128xi32, #tpu.memory_space<hbm>>
        %dma_start3A_199 = tpu.memref_squeeze %dma_start3A_198 : memref<1x80x2x128xi32, #tpu.memory_space<hbm>> -> memref<80x2x128xi32, #tpu.memory_space<hbm>>
        %dma_start3A_200 = arith.constant 0 : i32
        %dma_start3A_201 = arith.constant 0 : i32
        %dma_start3A_202 = tpu.memref_slice %dma_start3A_199[%add3A_194, %dma_start3A_200, %dma_start3A_201] : memref<80x2x128xi32, #tpu.memory_space<hbm>> -> memref<1x2x128xi32, #tpu.memory_space<hbm>>
        %dma_start3A_203 = tpu.memref_squeeze %dma_start3A_202 : memref<1x2x128xi32, #tpu.memory_space<hbm>> -> memref<2x128xi32, #tpu.memory_space<hbm>>
        %dma_start3A_204 = arith.constant 0 : i32
        %dma_start3A_205 = arith.constant 0 : i32
        %dma_start3A_206 = arith.constant 0 : i32
        %dma_start3A_207 = tpu.memref_slice %arg3[%add3A, %dma_start3A_204, %dma_start3A_205, %dma_start3A_206] : memref<32x80x2x128xi32, #tpu.memory_space<hbm>> -> memref<1x80x2x128xi32, #tpu.memory_space<hbm>>
        %dma_start3A_208 = tpu.memref_squeeze %dma_start3A_207 : memref<1x80x2x128xi32, #tpu.memory_space<hbm>> -> memref<80x2x128xi32, #tpu.memory_space<hbm>>
        %dma_start3A_209 = arith.constant 0 : i32
        %dma_start3A_210 = arith.constant 0 : i32
        %dma_start3A_211 = tpu.memref_slice %dma_start3A_208[%add3A_194, %dma_start3A_209, %dma_start3A_210] : memref<80x2x128xi32, #tpu.memory_space<hbm>> -> memref<1x2x128xi32, #tpu.memory_space<hbm>>
        %dma_start3A_212 = tpu.memref_squeeze %dma_start3A_211 : memref<1x2x128xi32, #tpu.memory_space<hbm>> -> memref<2x128xi32, #tpu.memory_space<hbm>>
        tpu.enqueue_dma source(%dma_start3A_212 : memref<2x128xi32, #tpu.memory_space<hbm>>) target(%arg7 : memref<2x128xi32, #tpu.memory_space<vmem>>) target_semaphore(%arg16 : memref<!tpu.dma_semaphore, #tpu.memory_space<semaphore_mem>>)
      } else {
      }
    }
    %scan3A_38 = arith.constant 20 : i32
    %dma_wait3A = arith.constant 1 : i32
    %dma_wait3A_39 = arith.constant 0 : i32
    %dma_wait3A_40 = tpu.memref_slice %arg9[%dma_wait3A, %dma_wait3A_39] : memref<2x128xi32, #tpu.memory_space<vmem>> -> memref<1x128xi32, #tpu.memory_space<vmem>>
    %dma_wait3A_41 = tpu.memref_squeeze %dma_wait3A_40 : memref<1x128xi32, #tpu.memory_space<vmem>> -> memref<128xi32, #tpu.memory_space<vmem>>
    %dma_wait3A_42 = arith.constant 0 : i32
    %dma_wait3A_43 = arith.constant 0 : i32
    %dma_wait3A_44 = tpu.memref_slice %arg12[%dma_wait3A_42, %dma_wait3A_43] : memref<10240x128xf32, #tpu.memory_space<vmem_shared>> -> memref<10240x128xf32, #tpu.memory_space<vmem_shared>>
    tpu.wait_indirect_dma semaphore(%arg20 : memref<!tpu.dma_semaphore, #tpu.memory_space<semaphore_mem>>) src(%arg11 : memref<128x128xf32, #tpu.memory_space<vmem>>) dst(%dma_wait3A_44 : memref<10240x128xf32, #tpu.memory_space<vmem_shared>>)
    %barrier3A_45 = arith.constant 0 : index
    tpu.barrier barrier_id(%barrier3A_45)
    "tpu.region"() ({
      %run_scoped3A_46 = tpu.sem_alloc : memref<!tpu.dma_semaphore, #tpu.memory_space<semaphore_mem>>
      %dma_start3A_47 = arith.constant 0 : i32
      %dma_start3A_48 = arith.constant 0 : i32
      %dma_start3A_49 = tpu.memref_slice %arg5[%arg0, %dma_start3A_47, %dma_start3A_48] : memref<2x10240x128xf32, #tpu.memory_space<hbm>> -> memref<1x10240x128xf32, #tpu.memory_space<hbm>>
      %dma_start3A_50 = tpu.memref_squeeze %dma_start3A_49 : memref<1x10240x128xf32, #tpu.memory_space<hbm>> -> memref<10240x128xf32, #tpu.memory_space<hbm>>
      %dma_start3A_51 = arith.constant 0 : i32
      %dma_start3A_52 = tpu.memref_slice %dma_start3A_50[%mul3A_2, %dma_start3A_51] : memref<10240x128xf32, #tpu.memory_space<hbm>> -> memref<640x128xf32, #tpu.memory_space<hbm>>
      %dma_start3A_53 = arith.constant 0 : i32
      %dma_start3A_54 = tpu.memref_slice %arg12[%mul3A_2, %dma_start3A_53] : memref<10240x128xf32, #tpu.memory_space<vmem_shared>> -> memref<640x128xf32, #tpu.memory_space<vmem_shared>>
      tpu.enqueue_dma source(%dma_start3A_54 : memref<640x128xf32, #tpu.memory_space<vmem_shared>>) target(%dma_start3A_52 : memref<640x128xf32, #tpu.memory_space<hbm>>) target_semaphore(%run_scoped3A_46 : memref<!tpu.dma_semaphore, #tpu.memory_space<semaphore_mem>>)
      %dma_wait3A_55 = arith.constant 0 : i32
      %dma_wait3A_56 = arith.constant 0 : i32
      %dma_wait3A_57 = tpu.memref_slice %arg5[%arg0, %dma_wait3A_55, %dma_wait3A_56] : memref<2x10240x128xf32, #tpu.memory_space<hbm>> -> memref<1x10240x128xf32, #tpu.memory_space<hbm>>
      %dma_wait3A_58 = tpu.memref_squeeze %dma_wait3A_57 : memref<1x10240x128xf32, #tpu.memory_space<hbm>> -> memref<10240x128xf32, #tpu.memory_space<hbm>>
      %dma_wait3A_59 = arith.constant 0 : i32
      %dma_wait3A_60 = tpu.memref_slice %dma_wait3A_58[%mul3A_2, %dma_wait3A_59] : memref<10240x128xf32, #tpu.memory_space<hbm>> -> memref<640x128xf32, #tpu.memory_space<hbm>>
      %dma_wait3A_61 = arith.constant 0 : i32
      %dma_wait3A_62 = tpu.memref_slice %arg12[%mul3A_2, %dma_wait3A_61] : memref<10240x128xf32, #tpu.memory_space<vmem_shared>> -> memref<640x128xf32, #tpu.memory_space<vmem_shared>>
      tpu.wait_dma2 semaphore(%run_scoped3A_46 : memref<!tpu.dma_semaphore, #tpu.memory_space<semaphore_mem>>) src(%dma_wait3A_62 : memref<640x128xf32, #tpu.memory_space<vmem_shared>>) dst(%dma_wait3A_60 : memref<640x128xf32, #tpu.memory_space<hbm>>)
      tpu.yield
    }) : () -> ()
    return
  }
}

module attributes {stable_mosaic.version = 14 : i64} {
  func.func @_mlp_mid_body(%arg0: i32, %arg1: memref<2x2000x128xf32, #tpu.memory_space<vmem>>, %arg2: memref<128x128xf32, #tpu.memory_space<vmem>>, %arg3: memref<1x128xf32, #tpu.memory_space<vmem>>, %arg4: memref<128x128xf32, #tpu.memory_space<vmem>>, %arg5: memref<1x128xf32, #tpu.memory_space<vmem>>, %arg6: memref<2000x128xf32, #tpu.memory_space<vmem>>) attributes {dimension_semantics = [#tpu.dimension_semantics<arbitrary>], iteration_bounds = array<i64: 5>, scalar_prefetch = 0 : i64, scratch_operands = 0 : i64, tpu.core_type = #tpu.core_type<tc>, window_params = [{transform_indices = @transform_0, window_bounds = array<i64: 2, 2000, 128>}, {pipeline_mode = #tpu.pipeline_mode<synchronous>, transform_indices = @transform_1, window_bounds = array<i64: 128, 128>}, {pipeline_mode = #tpu.pipeline_mode<synchronous>, transform_indices = @transform_2, window_bounds = array<i64: 1, 128>}, {pipeline_mode = #tpu.pipeline_mode<synchronous>, transform_indices = @transform_3, window_bounds = array<i64: 128, 128>}, {pipeline_mode = #tpu.pipeline_mode<synchronous>, transform_indices = @transform_4, window_bounds = array<i64: 1, 128>}, {transform_indices = @transform_5, window_bounds = array<i64: 2000, 128>}]} {
    %get3A = arith.constant 0 : index
    %get3A_0 = arith.constant 0 : index
    %get3A_1 = arith.constant 0 : index
    %get3A_2 = vector.load %arg1[%get3A, %get3A_0, %get3A_1] : memref<2x2000x128xf32, #tpu.memory_space<vmem>>, vector<1x2000x128xf32>
    %get3A_3 = vector.shape_cast %get3A_2 : vector<1x2000x128xf32> to vector<2000x128xf32>
    %get3A_4 = arith.constant 1 : index
    %get3A_5 = arith.constant 0 : index
    %get3A_6 = arith.constant 0 : index
    %get3A_7 = vector.load %arg1[%get3A_4, %get3A_5, %get3A_6] : memref<2x2000x128xf32, #tpu.memory_space<vmem>>, vector<1x2000x128xf32>
    %get3A_8 = vector.shape_cast %get3A_7 : vector<1x2000x128xf32> to vector<2000x128xf32>
    %add3A = arith.addf %get3A_3, %get3A_8 : vector<2000x128xf32>
    %get3A_9 = arith.constant 0 : index
    %get3A_10 = arith.constant 0 : index
    %get3A_11 = vector.load %arg2[%get3A_9, %get3A_10] : memref<128x128xf32, #tpu.memory_space<vmem>>, vector<128x128xf32>
    %dot_general3A = arith.constant dense<0.000000e+00> : vector<2000x128xf32>
    %dot_general3A_12 = tpu.matmul %add3A, %get3A_11, %dot_general3A {dimension_numbers = #tpu.dot_dimension_numbers<[1], [0], [0], [1], [0, 0, 1, 1], [], []>, transpose_lhs_hint = false} : vector<2000x128xf32>, vector<128x128xf32>, vector<2000x128xf32> -> vector<2000x128xf32>
    %get3A_13 = arith.constant 0 : index
    %get3A_14 = arith.constant 0 : index
    %get3A_15 = vector.load %arg3[%get3A_13, %get3A_14] : memref<1x128xf32, #tpu.memory_space<vmem>>, vector<1x128xf32>
    %add3A_16 = vector.broadcast %get3A_15 : vector<1x128xf32> to vector<2000x128xf32>
    %add3A_17 = arith.addf %dot_general3A_12, %add3A_16 : vector<2000x128xf32>
    %max3A = arith.constant 0.000000e+00 : f32
    %max3A_18 = vector.broadcast %max3A : f32 to vector<2000x128xf32>
    %max3A_19 = arith.maximumf %add3A_17, %max3A_18 : vector<2000x128xf32>
    %get3A_20 = arith.constant 0 : index
    %get3A_21 = arith.constant 0 : index
    %get3A_22 = vector.load %arg4[%get3A_20, %get3A_21] : memref<128x128xf32, #tpu.memory_space<vmem>>, vector<128x128xf32>
    %dot_general3A_23 = arith.constant dense<0.000000e+00> : vector<2000x128xf32>
    %dot_general3A_24 = tpu.matmul %max3A_19, %get3A_22, %dot_general3A_23 {dimension_numbers = #tpu.dot_dimension_numbers<[1], [0], [0], [1], [0, 0, 1, 1], [], []>, transpose_lhs_hint = false} : vector<2000x128xf32>, vector<128x128xf32>, vector<2000x128xf32> -> vector<2000x128xf32>
    %get3A_25 = arith.constant 0 : index
    %get3A_26 = arith.constant 0 : index
    %get3A_27 = vector.load %arg5[%get3A_25, %get3A_26] : memref<1x128xf32, #tpu.memory_space<vmem>>, vector<1x128xf32>
    %add3A_28 = vector.broadcast %get3A_27 : vector<1x128xf32> to vector<2000x128xf32>
    %add3A_29 = arith.addf %dot_general3A_24, %add3A_28 : vector<2000x128xf32>
    %gt3A = arith.constant 0.000000e+00 : f32
    %gt3A_30 = vector.broadcast %gt3A : f32 to vector<2000x128xf32>
    %gt3A_31 = arith.cmpf ogt, %add3A_29, %gt3A_30 : vector<2000x128xf32>
    %min3A = arith.constant 0.000000e+00 : f32
    %min3A_32 = vector.broadcast %min3A : f32 to vector<2000x128xf32>
    %min3A_33 = arith.minimumf %add3A_29, %min3A_32 : vector<2000x128xf32>
    %exp3A = math.exp %min3A_33 : vector<2000x128xf32>
    %sub3A = arith.constant 1.000000e+00 : f32
    %sub3A_34 = vector.broadcast %sub3A : f32 to vector<2000x128xf32>
    %sub3A_35 = arith.subf %exp3A, %sub3A_34 : vector<2000x128xf32>
    %select_n3A = arith.select %gt3A_31, %add3A_29, %sub3A_35 : vector<2000x128xi1>, vector<2000x128xf32>
    %swap3A = arith.constant 0 : index
    %swap3A_36 = arith.constant 0 : index
    %swap3A_37 = vector.load %arg6[%swap3A, %swap3A_36] : memref<2000x128xf32, #tpu.memory_space<vmem>>, vector<2000x128xf32>
    tpu.vector_store %arg6[%swap3A, %swap3A_36], %select_n3A {strides = array<i32>} : memref<2000x128xf32, #tpu.memory_space<vmem>>, vector<2000x128xf32>,
    return
  }
  func.func @transform_0(%arg0: i32) -> (i32, i32, i32) {
    %c0_i32 = arith.constant 0 : i32
    %c0_i32_0 = arith.constant 0 : i32
    %c0_i32_1 = arith.constant 0 : i32
    return %c0_i32, %arg0, %c0_i32_0 : i32, i32, i32
  }
  func.func @transform_1(%arg0: i32) -> (i32, i32) {
    %c0_i32 = arith.constant 0 : i32
    %c0_i32_0 = arith.constant 0 : i32
    %c0_i32_1 = arith.constant 0 : i32
    return %c0_i32, %c0_i32_0 : i32, i32
  }
  func.func @transform_2(%arg0: i32) -> (i32, i32) {
    %c0_i32 = arith.constant 0 : i32
    %c0_i32_0 = arith.constant 0 : i32
    %c0_i32_1 = arith.constant 0 : i32
    return %c0_i32, %c0_i32_0 : i32, i32
  }
  func.func @transform_3(%arg0: i32) -> (i32, i32) {
    %c0_i32 = arith.constant 0 : i32
    %c0_i32_0 = arith.constant 0 : i32
    %c0_i32_1 = arith.constant 0 : i32
    return %c0_i32, %c0_i32_0 : i32, i32
  }
  func.func @transform_4(%arg0: i32) -> (i32, i32) {
    %c0_i32 = arith.constant 0 : i32
    %c0_i32_0 = arith.constant 0 : i32
    %c0_i32_1 = arith.constant 0 : i32
    return %c0_i32, %c0_i32_0 : i32, i32
  }
  func.func @transform_5(%arg0: i32) -> (i32, i32) {
    %c0_i32 = arith.constant 0 : i32
    %c0_i32_0 = arith.constant 0 : i32
    return %arg0, %c0_i32 : i32, i32
  }
}

module attributes {stable_mosaic.version = 14 : i64} {
  func.func @_mlp_final_body(%arg0: i32, %arg1: memref<2x2000x128xf32, #tpu.memory_space<vmem>>, %arg2: memref<128x128xf32, #tpu.memory_space<vmem>>, %arg3: memref<1x128xf32, #tpu.memory_space<vmem>>, %arg4: memref<128x128xf32, #tpu.memory_space<vmem>>, %arg5: memref<1x128xf32, #tpu.memory_space<vmem>>, %arg6: memref<128x1xf32, #tpu.memory_space<vmem>>, %arg7: memref<1x1xf32, #tpu.memory_space<vmem>>, %arg8: memref<2000x1xf32, #tpu.memory_space<vmem>>) attributes {dimension_semantics = [#tpu.dimension_semantics<arbitrary>], iteration_bounds = array<i64: 5>, scalar_prefetch = 0 : i64, scratch_operands = 0 : i64, tpu.core_type = #tpu.core_type<tc>, window_params = [{transform_indices = @transform_0, window_bounds = array<i64: 2, 2000, 128>}, {pipeline_mode = #tpu.pipeline_mode<synchronous>, transform_indices = @transform_1, window_bounds = array<i64: 128, 128>}, {pipeline_mode = #tpu.pipeline_mode<synchronous>, transform_indices = @transform_2, window_bounds = array<i64: 1, 128>}, {pipeline_mode = #tpu.pipeline_mode<synchronous>, transform_indices = @transform_3, window_bounds = array<i64: 128, 128>}, {pipeline_mode = #tpu.pipeline_mode<synchronous>, transform_indices = @transform_4, window_bounds = array<i64: 1, 128>}, {pipeline_mode = #tpu.pipeline_mode<synchronous>, transform_indices = @transform_5, window_bounds = array<i64: 128, 1>}, {pipeline_mode = #tpu.pipeline_mode<synchronous>, transform_indices = @transform_6, window_bounds = array<i64: 1, 1>}, {transform_indices = @transform_7, window_bounds = array<i64: 2000, 1>}]} {
    %get3A = arith.constant 0 : index
    %get3A_0 = arith.constant 0 : index
    %get3A_1 = arith.constant 0 : index
    %get3A_2 = vector.load %arg1[%get3A, %get3A_0, %get3A_1] : memref<2x2000x128xf32, #tpu.memory_space<vmem>>, vector<1x2000x128xf32>
    %get3A_3 = vector.shape_cast %get3A_2 : vector<1x2000x128xf32> to vector<2000x128xf32>
    %get3A_4 = arith.constant 1 : index
    %get3A_5 = arith.constant 0 : index
    %get3A_6 = arith.constant 0 : index
    %get3A_7 = vector.load %arg1[%get3A_4, %get3A_5, %get3A_6] : memref<2x2000x128xf32, #tpu.memory_space<vmem>>, vector<1x2000x128xf32>
    %get3A_8 = vector.shape_cast %get3A_7 : vector<1x2000x128xf32> to vector<2000x128xf32>
    %add3A = arith.addf %get3A_3, %get3A_8 : vector<2000x128xf32>
    %get3A_9 = arith.constant 0 : index
    %get3A_10 = arith.constant 0 : index
    %get3A_11 = vector.load %arg2[%get3A_9, %get3A_10] : memref<128x128xf32, #tpu.memory_space<vmem>>, vector<128x128xf32>
    %dot_general3A = arith.constant dense<0.000000e+00> : vector<2000x128xf32>
    %dot_general3A_12 = tpu.matmul %add3A, %get3A_11, %dot_general3A {dimension_numbers = #tpu.dot_dimension_numbers<[1], [0], [0], [1], [0, 0, 1, 1], [], []>, transpose_lhs_hint = false} : vector<2000x128xf32>, vector<128x128xf32>, vector<2000x128xf32> -> vector<2000x128xf32>
    %get3A_13 = arith.constant 0 : index
    %get3A_14 = arith.constant 0 : index
    %get3A_15 = vector.load %arg3[%get3A_13, %get3A_14] : memref<1x128xf32, #tpu.memory_space<vmem>>, vector<1x128xf32>
    %add3A_16 = vector.broadcast %get3A_15 : vector<1x128xf32> to vector<2000x128xf32>
    %add3A_17 = arith.addf %dot_general3A_12, %add3A_16 : vector<2000x128xf32>
    %max3A = arith.constant 0.000000e+00 : f32
    %max3A_18 = vector.broadcast %max3A : f32 to vector<2000x128xf32>
    %max3A_19 = arith.maximumf %add3A_17, %max3A_18 : vector<2000x128xf32>
    %get3A_20 = arith.constant 0 : index
    %get3A_21 = arith.constant 0 : index
    %get3A_22 = vector.load %arg4[%get3A_20, %get3A_21] : memref<128x128xf32, #tpu.memory_space<vmem>>, vector<128x128xf32>
    %dot_general3A_23 = arith.constant dense<0.000000e+00> : vector<2000x128xf32>
    %dot_general3A_24 = tpu.matmul %max3A_19, %get3A_22, %dot_general3A_23 {dimension_numbers = #tpu.dot_dimension_numbers<[1], [0], [0], [1], [0, 0, 1, 1], [], []>, transpose_lhs_hint = false} : vector<2000x128xf32>, vector<128x128xf32>, vector<2000x128xf32> -> vector<2000x128xf32>
    %get3A_25 = arith.constant 0 : index
    %get3A_26 = arith.constant 0 : index
    %get3A_27 = vector.load %arg5[%get3A_25, %get3A_26] : memref<1x128xf32, #tpu.memory_space<vmem>>, vector<1x128xf32>
    %add3A_28 = vector.broadcast %get3A_27 : vector<1x128xf32> to vector<2000x128xf32>
    %add3A_29 = arith.addf %dot_general3A_24, %add3A_28 : vector<2000x128xf32>
    %gt3A = arith.constant 0.000000e+00 : f32
    %gt3A_30 = vector.broadcast %gt3A : f32 to vector<2000x128xf32>
    %gt3A_31 = arith.cmpf ogt, %add3A_29, %gt3A_30 : vector<2000x128xf32>
    %min3A = arith.constant 0.000000e+00 : f32
    %min3A_32 = vector.broadcast %min3A : f32 to vector<2000x128xf32>
    %min3A_33 = arith.minimumf %add3A_29, %min3A_32 : vector<2000x128xf32>
    %exp3A = math.exp %min3A_33 : vector<2000x128xf32>
    %sub3A = arith.constant 1.000000e+00 : f32
    %sub3A_34 = vector.broadcast %sub3A : f32 to vector<2000x128xf32>
    %sub3A_35 = arith.subf %exp3A, %sub3A_34 : vector<2000x128xf32>
    %select_n3A = arith.select %gt3A_31, %add3A_29, %sub3A_35 : vector<2000x128xi1>, vector<2000x128xf32>
    %get3A_36 = arith.constant 0 : index
    %get3A_37 = arith.constant 0 : index
    %get3A_38 = vector.load %arg6[%get3A_36, %get3A_37] : memref<128x1xf32, #tpu.memory_space<vmem>>, vector<128x1xf32>
    %dot_general3A_39 = arith.constant dense<0.000000e+00> : vector<2000x1xf32>
    %dot_general3A_40 = tpu.matmul %select_n3A, %get3A_38, %dot_general3A_39 {dimension_numbers = #tpu.dot_dimension_numbers<[1], [0], [0], [1], [0, 0, 1, 1], [], []>, transpose_lhs_hint = false} : vector<2000x128xf32>, vector<128x1xf32>, vector<2000x1xf32> -> vector<2000x1xf32>
    %get3A_41 = arith.constant 0 : index
    %get3A_42 = arith.constant 0 : index
    %get3A_43 = vector.load %arg7[%get3A_41, %get3A_42] : memref<1x1xf32, #tpu.memory_space<vmem>>, vector<1x1xf32>
    %add3A_44 = vector.broadcast %get3A_43 : vector<1x1xf32> to vector<2000x1xf32>
    %add3A_45 = arith.addf %dot_general3A_40, %add3A_44 : vector<2000x1xf32>
    %neg3A = arith.constant 0.000000e+00 : f32
    %neg3A_46 = vector.broadcast %neg3A : f32 to vector<2000x1xf32>
    %neg3A_47 = arith.subf %neg3A_46, %add3A_45 : vector<2000x1xf32>
    %exp3A_48 = math.exp %neg3A_47 : vector<2000x1xf32>
    %add3A_49 = arith.constant 1.000000e+00 : f32
    %add3A_50 = vector.broadcast %add3A_49 : f32 to vector<2000x1xf32>
    %add3A_51 = arith.addf %add3A_50, %exp3A_48 : vector<2000x1xf32>
    %div3A = arith.constant 1.000000e+00 : f32
    %div3A_52 = vector.broadcast %div3A : f32 to vector<2000x1xf32>
    %div3A_53 = arith.divf %div3A_52, %add3A_51 : vector<2000x1xf32>
    %swap3A = arith.constant 0 : index
    %swap3A_54 = arith.constant 0 : index
    %swap3A_55 = vector.load %arg8[%swap3A, %swap3A_54] : memref<2000x1xf32, #tpu.memory_space<vmem>>, vector<2000x1xf32>
    tpu.vector_store %arg8[%swap3A, %swap3A_54], %div3A_53 {strides = array<i32>} : memref<2000x1xf32, #tpu.memory_space<vmem>>, vector<2000x1xf32>,
    return
  }
  func.func @transform_0(%arg0: i32) -> (i32, i32, i32) {
    %c0_i32 = arith.constant 0 : i32
    %c0_i32_0 = arith.constant 0 : i32
    %c0_i32_1 = arith.constant 0 : i32
    return %c0_i32, %arg0, %c0_i32_0 : i32, i32, i32
  }
  func.func @transform_1(%arg0: i32) -> (i32, i32) {
    %c0_i32 = arith.constant 0 : i32
    %c0_i32_0 = arith.constant 0 : i32
    %c0_i32_1 = arith.constant 0 : i32
    return %c0_i32, %c0_i32_0 : i32, i32
  }
  func.func @transform_2(%arg0: i32) -> (i32, i32) {
    %c0_i32 = arith.constant 0 : i32
    %c0_i32_0 = arith.constant 0 : i32
    %c0_i32_1 = arith.constant 0 : i32
    return %c0_i32, %c0_i32_0 : i32, i32
  }
  func.func @transform_3(%arg0: i32) -> (i32, i32) {
    %c0_i32 = arith.constant 0 : i32
    %c0_i32_0 = arith.constant 0 : i32
    %c0_i32_1 = arith.constant 0 : i32
    return %c0_i32, %c0_i32_0 : i32, i32
  }
  func.func @transform_4(%arg0: i32) -> (i32, i32) {
    %c0_i32 = arith.constant 0 : i32
    %c0_i32_0 = arith.constant 0 : i32
    %c0_i32_1 = arith.constant 0 : i32
    return %c0_i32, %c0_i32_0 : i32, i32
  }
  func.func @transform_5(%arg0: i32) -> (i32, i32) {
    %c0_i32 = arith.constant 0 : i32
    %c0_i32_0 = arith.constant 0 : i32
    %c0_i32_1 = arith.constant 0 : i32
    return %c0_i32, %c0_i32_0 : i32, i32
  }
  func.func @transform_6(%arg0: i32) -> (i32, i32) {
    %c0_i32 = arith.constant 0 : i32
    %c0_i32_0 = arith.constant 0 : i32
    %c0_i32_1 = arith.constant 0 : i32
    return %c0_i32, %c0_i32_0 : i32, i32
  }
  func.func @transform_7(%arg0: i32) -> (i32, i32) {
    %c0_i32 = arith.constant 0 : i32
    %c0_i32_0 = arith.constant 0 : i32
    return %arg0, %c0_i32 : i32, i32
  }
}

</mosaic_0001>

<sc_bundles>
// kernel: kernel.6.cloned.1.call-start
scs
__scs_entry_jumppad:
0x0: {  	(pc) =	sbr.rel $0x88, $3  }
0x1: {  	(tag) =	ssettag $0x0;
	lr =	simm.s32 $0x1  }
0x2: {  	[smem:$0x3F95] =	sst lr;
	_ =	strace $0xD0000000  }
0x3: {  	_ = 	snop  }
0x4: {  	_ = 	snop  }
0x5: {  	_ = 	snop  }
0x6: {  	_ = 	snop  }
0x7: {  	_ = 	snop  }
__scs_overlays_trampoline_lowered:
0x8: {  	[smem:$0x3FA4] =	sst s0  }
0x9: {  	[smem:$0x3FA5] =	sst s1  }
0xa: {  	[smem:$0x3FA6] =	sst s2  }
0xb: {  	[smem:$0x3FA7] =	sst s3  }
0xc: {  	[smem:$0x3FA8] =	sst s4  }
0xd: {  	[smem:$0x3FA9] =	sst s5  }
0xe: {  	[smem:$0x3FAA] =	sst s6  }
0xf: {  	[smem:$0x3FAB] =	sst s7  }
0x10: {  	[smem:$0x3FAC] =	sst s8  }
0x11: {  	[smem:$0x3FAD] =	sst s9;
	s0 =	simm.s32 @!p0 $0x0  }
0x12: {  	s1 =	sld [smem:$0x3F93];
	s0 =	simm.s32 @p0 $0x1  }
0x13: {  	[smem:$0x3FAE] =	sst s0;
	s0 =	simm.s32 @!p1 $0x0  }
0x14: {  	s2 =	sld [smem:$0x3F92];
	s0 =	simm.s32 @p1 $0x1  }
0x15: {  	[smem:$0x3FAF] =	sst s0;
	s0 =	simm.s32 @!p2 $0x0  }
0x16: {  	s3 =	sld [smem:$0x3FDB];
	s0 =	simm.s32 @p2 $0x1  }
0x17: {  	s4 =	simm.s32 $0x1BF5;
	[smem:$0x3FB1] =	sst s0  }
0x18: {  	s0 =	sld [smem:$0x3F94];
	_ =	swait.ge [sflag:s4], $0x0  }
0x19: {  	s7 =	sld [smem:$0x3F95]  }
0x1a: {  	s8 =	sadd.s32 $0xFFFFE003, lr  }
0x1b: {  	s9 =	sadd.s32 $0xFFFFFEF7, lr;
	s5 =	simm.s32 $0xFFFFFFFF;
	p2 =	slt.u32 s8, $0xFFFFF086  }
0x1c: {  	p1 =	slt.u32 s9, $0xF7A;
	s5 =	simm.s32 @!p2 $0x0  }
0x1d: {  	s5 =	simm.s32 @p1 $0x1;
	p0 =	seq.s32 s7, s2  }
0x1e: {  	s7 =	smul.u32 @!p0 $0xF7A, s2;
	p2 =	seq.s32 @!p0 s5, $0x0  }
0x1f: {  	s9 =	smul.u32 $0xF7A, s1;
	s8 =	simm.s32 @!p0 $0x1BF5;
	p2 =	por !p2, p0  }
0x20: {  	[sflag:s8] =	ssyncset.s32 @!p0 $0xFFFFF086;
	s6 =	sadd.s32 @!p0 s3, s7;
	s7 =	simm.s32 @!p0 $0x108  }
0x21: {  	s3 =	sadd.s32 s3, s9;
	s6 =	sadd.s32 @!p0 $0x88, s6;
	s7 =	simm.s32 @p2 $0x1082  }
0x22: {  	[simem:s7], [sflag:s8] =	dma.local @!p0 [hbm:s6], $0xF7A  }
0x23: {  	s9 =	sor.u32 $0xD0000000, s2;
	s6 =	simm.s32 $0x108;
	_ =	swait.ge @!p0 [sflag:s8], $0x0  }
0x24: {  	s3 =	sadd.s32 $0x88, s3;
	s6 =	simm.s32 @!p1 $0x1082;
	[sflag:s4] =	ssyncset.s32 $0xFFFFF086  }
0x25: {  	[simem:s6], [sflag:s4] =	dma.local [hbm:s3], $0xF7A  }
0x26: {  	[smem:$0x3F95] =	sst s1;
	(tag) =	ssettag s2;
	_ =	strace s9  }
0x27: {  	s1 =	sld [smem:$0x3FA5]  }
0x28: {  	s2 =	sld [smem:$0x3FA6]  }
0x29: {  	s4 =	sld [smem:$0x3FA8]  }
0x2a: {  	p0 =	seq.s32 s5, $0x0;
	s5 =	sld [smem:$0x3FA9]  }
0x2b: {  	s6 =	sld [smem:$0x3FAA]  }
0x2c: {  	s7 =	sld [smem:$0x3FAB]  }
0x2d: {  	s3 =	simm.s32 $0x108;
	s8 =	sld [smem:$0x3FAC]  }
0x2e: {  	s3 =	simm.s32 @!p0 $0x1082;
	s9 =	sld [smem:$0x3FAD]  }
0x2f: {  	lr =	sadd.s32 s0, s3;
	s0 =	sld [smem:$0x3FA4]  }
0x30: {  	s3 =	sld [smem:$0x3FA7]  }
0x31: {  	[smem:$0x3FB0] =	sst s10  }
0x32: {  	s10 =	sld [smem:$0x3FAE];
	_ =	sdelay $0x3  }
0x33: {  	p0 =	seq.s32 s10, $0x1;
	s10 =	sld [smem:$0x3FB0];
	_ =	sdelay $0x3  }
0x34: {  	[smem:$0x3FB0] =	sst s10  }
0x35: {  	s10 =	sld [smem:$0x3FAF];
	_ =	sdelay $0x3  }
0x36: {  	p1 =	seq.s32 s10, $0x1;
	s10 =	sld [smem:$0x3FB0];
	_ =	sdelay $0x3  }
0x37: {  	[smem:$0x3FB0] =	sst s10  }
0x38: {  	s10 =	sld [smem:$0x3FB1]  }
0x39: {  	_ = 	snop;
	(pc) =	sbr.ind lr, $3  }
0x3a: {  	_ = 	snop  }
0x3b: {  	_ = 	snop  }
0x3c: {  	p2 =	seq.s32 s10, $0x1;
	s10 =	sld [smem:$0x3FB0]  }
0x3d: {  	_ =	shalt  }
0x3e: {  	_ =	shalt  }
0x3f: {  	_ =	shalt  }
0x40: {  	_ =	shalt  }
0x41: {  	_ =	shalt  }
0x42: {  	_ =	shalt  }
0x43: {  	_ =	shalt  }
0x44: {  	_ =	shalt  }
0x45: {  	_ =	shalt  }
0x46: {  	_ =	shalt  }
0x47: {  	_ =	shalt  }
0x48: {  	_ =	shalt  }
0x49: {  	_ =	shalt  }
0x4a: {  	_ =	shalt  }
0x4b: {  	_ =	shalt  }
0x4c: {  	_ =	shalt  }
0x4d: {  	_ =	shalt  }
0x4e: {  	_ =	shalt  }
0x4f: {  	_ =	shalt  }
0x50: {  	_ =	shalt  }
0x51: {  	_ =	shalt  }
0x52: {  	_ =	shalt  }
0x53: {  	_ =	shalt  }
0x54: {  	_ =	shalt  }
0x55: {  	_ =	shalt  }
0x56: {  	_ =	shalt  }
0x57: {  	_ =	shalt  }
0x58: {  	_ =	shalt  }
0x59: {  	_ =	shalt  }
0x5a: {  	_ =	shalt  }
0x5b: {  	_ =	shalt  }
0x5c: {  	_ =	shalt  }
0x5d: {  	_ =	shalt  }
0x5e: {  	_ =	shalt  }
0x5f: {  	_ =	shalt  }
0x60: {  	_ =	shalt  }
0x61: {  	_ =	shalt  }
0x62: {  	_ =	shalt  }
0x63: {  	_ =	shalt  }
0x64: {  	_ =	shalt  }
0x65: {  	_ =	shalt  }
0x66: {  	_ =	shalt  }
0x67: {  	_ =	shalt  }
0x68: {  	_ =	shalt  }
0x69: {  	_ =	shalt  }
0x6a: {  	_ =	shalt  }
0x6b: {  	_ =	shalt  }
0x6c: {  	_ =	shalt  }
0x6d: {  	_ =	shalt  }
0x6e: {  	_ =	shalt  }
0x6f: {  	_ =	shalt  }
0x70: {  	_ =	shalt  }
0x71: {  	_ =	shalt  }
0x72: {  	_ =	shalt  }
0x73: {  	_ =	shalt  }
0x74: {  	_ =	shalt  }
0x75: {  	_ =	shalt  }
0x76: {  	_ =	shalt  }
0x77: {  	_ =	shalt  }
0x78: {  	_ =	shalt  }
0x79: {  	_ =	shalt  }
0x7a: {  	_ =	shalt  }
0x7b: {  	_ =	shalt  }
0x7c: {  	_ =	shalt  }
0x7d: {  	_ =	shalt  }
0x7e: {  	_ =	shalt  }
0x7f: {  	_ =	shalt  }
0x80: {  	_ =	shalt  }
0x81: {  	_ =	shalt  }
0x82: {  	_ =	shalt  }
0x83: {  	_ =	shalt  }
0x84: {  	_ =	shalt  }
0x85: {  	_ =	shalt  }
0x86: {  	_ =	shalt  }
0x87: {  	_ =	shalt  }
.Lfunc_end0:
.L_simem_size_0:
called_computation_lowered:
.L_overlay_start_0:
0x88: {  	s2 =	sld [smem:$0x3FD9]  }
0x89: {  	s3 =	sld [smem:$0x3FFE];
	_ =	sdelay $0x1  }
0x8a: {  	s1 =	srdreg.scid  }
0x8b: {  	s0 =	sand.u32 $0x1, s1  }
0x8c: {  	s17 =	sshll.u32 s0, $0xA;
	s2 =	sadd.s32 s3, s2  }
0x8d: {  	s2 =	sadd.s32 s2, s17  }
0x8e: {  	[smem:$0x3FBC] =	sst s2  }
0x8f: {  	_ = 	snop  }
0x90: {  	s2 =	sld [smem:$0x3FC9];
	(tm) =	ssettm $0x1  }
0x91: {  	s18 =	sld [smem:$0x3FFB];
	_ =	sdelay $0x3  }
0x92: {  	_ =	strace s18  }
0x93: {  	s3 =	sld [smem:$0x3FFC];
	_ =	sdelay $0x3  }
0x94: {  	_ =	strace s3  }
0x95: {  	s3 =	sld [smem:$0x3FFD];
	_ =	sdelay $0x3  }
0x96: {  	_ =	strace s3  }
0x97: {  	_ =	strace $0x8FFFFFFF  }
0x98: {  	s19 =	sld [smem:$0x3FDB];
	_ =	sdelay $0x1  }
0x99: {  	s4 =	simm.s32 $_scs_section_size  }
0x9a: {  	s5 =	simm.s32 $_size__tile_overlayer_lowered;
	s6 =	simm.s32 $_tile_overlayer_lowered  }
0x9b: {  	s22 =	simm.s32 $0x1BFF;
	s21 =	sshll.u32 s6, $0x1;
	s3 =	sadd.s32 s4, s19  }
0x9c: {  	s7 =	simm.s32 $0x0;
	s20 =	sshll.u32 s5, $0x1;
	s5 =	sadd.s32 s21, s3  }
0x9d: {  	[timem:s7], [sflag:s22] =	dma.local [hbm:s5], s20  }
0x9e: {  	_ =	swait.ge [sflag:s22], s20  }
0x9f: {  	s4 =	ssub.s32 $0x0, s20;
	[sflag:s22] =	ssyncset.done $0x0  }
0xa0: {  	[sflag:s22] =	ssyncadd.s32 s4;
	_ =	sdelay $0x1  }
0xa1: {  	s23 =	simm.s32 $0x1B8B  }
0xa2: {  	_ =	swait.ge [sflag:s23], $0x1  }
0xa3: {  	[sflag:s23] =	ssyncset.done $0x0  }
0xa4: {  	s25 =	simm.s32 $0x1B8E;
	s24 =	sld [smem:$0x3FFE];
	[sflag:s23] =	ssyncadd.s32 $0xFFFFFFFF  }
0xa5: {  	s26 =	simm.s32 $execute0_lowered;
	[smem:$0x3FD2] =	sst s25  }
0xa6: {  	s5 =	sshll.u32 s26, $0x1;
	_ =	strace $0x80000046;
	[dreg:$0x1] =	wrdreg $0xFFFFFFFF  }
0xa7: {  	s28 =	simm.s32 $_size_execute0_lowered;
	s3 =	sadd.s32 s3, s5;
	[dreg:$0x0] =	wrdreg $0x0  }
0xa8: {  	s5 =	sshll.u32 s28, $0x1;
	[dreg:$0x2] =	wrdreg s3  }
0xa9: {  	[dreg:$0x3] =	wrdreg s5  }
0xaa: {  	[dreg:$0x4] =	wrdreg $0xC0  }
0xab: {  	_ =	task [dreg:s7], $0x5FFFF  }
0xac: {  	[dreg:$0x1] =	wrdreg $0xFFFFFFFF  }
0xad: {  	[dreg:$0x0] =	wrdreg $0x60  }
0xae: {  	[dreg:$0x2] =	wrdreg s2  }
0xaf: {  	[dreg:$0x3] =	wrdreg s24  }
0xb0: {  	[dreg:$0x4] =	wrdreg $0x84000  }
0xb1: {  	[dreg:$0x5] =	wrdreg $0x9  }
0xb2: {  	_ =	task.clear_ibuf [dreg:s7], $0x6FFFF;
	_ =	strace $0x90000046  }
0xb3: {  	s29 =	simm.s32 $0x9;
	_ =	strace $0x80000048  }
0xb4: {  	_ =	swait.ge [sflag:s29], $0x1  }
0xb5: {  	[sflag:s29] =	ssyncadd.s32 $0xFFFFFFFF  }
0xb6: {  	_ =	strace $0x90000048  }
0xb7: {  	_ =	sfence  }
0xb8: {  	s30 =	sld [smem:$0x0];
	_ =	sdelay $0x2  }
0xb9: {  	s31 =	sshll.u32 s1, $0xD;
	s1 =	sshrl.u32 s1, $0x2  }
0xba: {  	s3 =	sand.u32 $0x4000, s31;
	s1 =	sadd.s32 s1, s30  }
0xbb: {  	s0 =	sor.u32 s3, s0;
	s1 =	sshll.u32 s1, $0x11  }
0xbc: {  	s0 =	sor.u32 s1, s0  }
0xbd: {  	s0 =	sadd.s32 $0x8F2B, s0  }
0xbe: {  	[sflag:s0] =	ssyncadd.remote.s32 $0x1  }
0xbf: {  	_ =	sfence.sel $0xFFFF  }
0xc0: {  	[dreg:$0x0] =	wrdreg $0xFFFFFFFF;
	(pc) =	sbr.abs _section_cstart, $3  }
0xc1: {  	[dreg:$0x1] =	wrdreg $0xFFFFFFFF  }
0xc2: {  	_ =	task.clear_ibuf [dreg:s7], $0x2FFFF;
	_ =	strace $0x9FFFFFFF  }
0xc3: {  	(tm) =	ssettm $0x7FFFFFFF  }
tec
execute0_lowered:
.L_overlay_start_1:
0x0: {  	(tag) =	ssettag $0x1  }
0x1: {  	s1 =	rddreg [dreg:$0x0]  }
0x2: {  	s0 =	srdreg.scid;
	s5 =	rddreg [dreg:$0x1]  }
0x3: {  	s11 =	stileid.u32;
	s3 =	rddreg [dreg:$0x2];
	s4 =	simm.s32 $0x0  }
0x4: {  	s16 =	simm.s32 $0x9;
	s17 =	simm.s32 $0x80;
	s18 =	simm.s32 $0x400  }
0x5: {  	s28 =	simm.s32 $0x4;
	s29 =	simm.s32 $0x4400;
	s30 =	simm.s32 $0x200  }
0x6: {  	s31 =	simm.s32 $0x2;
	s12 =	simm.s32 $0x3;
	s13 =	simm.s32 $0x0  }
0x7: {  	s0 =	sand.u32 $0x1, s0;
	s2 =	sshll.u32 s11, $0x1;
	s6 =	smul.u32 $0x2800, s11  }
0x8: {  	[smem:$0x7FF] =	sst s4;
	s8 =	smul.u32 $0x50000, s11;
	s23 =	sadd.s32 $0x25800, s1  }
0x9: {  	s2 =	sor.u32 s0, s2;
	s7 =	smul.u32 $0x28000, s0;
	_ =	strace $0x80000047  }
0xa: {  	s10 =	ssub.s32 $0x2, s0;
	[dreg:$0x7] =	wrdreg s23;
	p0 =	sne.s32 s0, $0x0  }
0xb: {  	s2 =	smul.u32 $0xA00, s2;
	s9 =	sadd.s32 s6, s5;
	s20 =	sshrl.u32 s10, $0x1  }
0xc: {  	s8 =	sshrl.u32 s8, $0x2;
	s22 =	sadd.s32 s1, s6;
	s0 =	sshll.u32 @p0 s11, $0x6  }
0xd: {  	p2 =	seq.s32 @!p0 s11, $0xF;
	s21 =	sadd.s32 $0x15400, s9;
	[dreg:$0x6] =	wrdreg s22  }
0xe: {  	s0 =	sor.u32 @p0 $0x1C09, s0;
	p1 =	por !p2, p0;
	p2 =	por p2, p0  }
0xf: {  	s2 =	sadd.s32 s2, s5;
	s5 =	sadd.s32 s7, s5;
	s7 =	ssub.s32 s10, s20  }
0x10: {  	s10 =	sadd.s32 s8, s3;
	[dreg:$0x5] =	wrdreg s21;
	s8 =	sadd.s32 $0x12C000, s3  }
0x11: {  	[dreg:$0x9] =	wrdreg s0;
	s20 =	simm.s32 $0x100;
	s9 =	sadd.s32 $0x1400, s2  }
0x12: {  	s24 =	sadd.s32 $0x3D400, s5;
	s25 =	smax.u32 s7, $0x1;
	[dreg:$0x4] =	wrdreg s10  }
0x13: {  	s0 =	sshrl.u32 @p0 s10, $0x3;
	s2 =	simm.s32 $0x180;
	[dreg:$0x8] =	wrdreg s25  }
0x14: {  	s7 =	simm.s32 $0x300;
	s5 =	simm.s32 $0x380;
	[dreg:$0xa] =	wrdreg s0  }
0x15: {  	s0 =	sshrl.u32 @!p1 s8, $0x3;
	s26 =	sadd.s32 $0x20, s9;
	s21 =	sadd.s32 $0x40, s9  }
0x16: {  	s22 =	sadd.s32 $0x60, s9;
	s23 =	sadd.s32 $0x80, s9;
	s24 =	sadd.s32 s6, s24  }
.Ltmp0:
0x17: {  	s25 =	sadd.s32 $0xA0, s9;
	s6 =	simm.s32 $0x5;
	(pc) =	sbr.rel .LBB2_1-.Ltmp0, $4  }
0x18: {  	s8 =	simm.s32 $0x280;
	[dreg:$0xb] =	wrdreg s0;
	s0 =	sshll.u32 @!p2 s11, $0x6  }
0x19: {  	[dreg:$0xe] =	wrdreg s26;
	s26 =	simm.s32 $0x1;
	s0 =	sor.u32 @!p2 $0x1C09, s0  }
0x1a: {  	s11 =	simm.s32 $0x6;
	[dreg:$0xc] =	wrdreg s0;
	s0 =	sshrl.u32 @!p2 s10, $0x3  }
0x1b: {  	s10 =	simm.s32 $0x8;
	[dreg:$0xd] =	wrdreg s0;
	s0 =	simm.s32 $0x7  }
.LBB2_4:
0x1c: {  	_ =	swait.ge [sflag:s31], $0x4000  }
0x1d: {  	[sflag:s31] =	ssyncset.done $0x0  }
0x1e: {  	[sflag:s31] =	ssyncadd.s32 $0xFFFFC000  }
0x1f: {  	[spmem:s3] =	stream.indirect.scatter.add.f32 [tilespmem:s29], [sflag:$0x8], $0x80, s5, s17, $0xb8;
	[tilespmem:$0x1C400] =	vst v63  }
0x20: {  	_ =	swait.ge [sflag:s0], $0x4000  }
0x21: {  	[sflag:s0] =	ssyncset.done $0x0  }
0x22: {  	[sflag:s0] =	ssyncadd.s32 $0xFFFFC000  }
0x23: {  	_ =	swait.ge [sflag:s10], $0x4000  }
0x24: {  	[sflag:s10] =	ssyncset.done $0x0  }
0x25: {  	[sflag:s10] =	ssyncadd.s32 $0xFFFFC000  }
0x26: {  	s14 =	stileid.u32;
	[bflag:$0x0] =	sbarrier.arrive $0xFFFF  }
0x27: {  	s14 =	sshll.u32 s14, $0x6;
	s15 =	rddreg [dreg:$0x4]  }
0x28: {  	s14 =	sor.u32 $0x1C09, s14;
	s15 =	sshrl.u32 s15, $0x3  }
0x29: {  	[hbm:s24], [sflag:s14] =	dma.local [spmem:s15], $0x2800  }
0x2a: {  	_ =	swait.ge [sflag:s16], $0x2800  }
0x2b: {  	s13 =	sadd.s32 $0x1, s13;
	s19 =	rddreg [dreg:$0x8]  }
0x2c: {  	p3 =	sne.s32 s13, s19  }
.Ltmp1:
0x2d: {  	_ = 	snop;
	(pc) =	sbr.rel @!p3 .LBB2_5-.Ltmp1, $3  }
0x2e: {  	_ =	sdelay $0x1  }
0x2f: {  	[sflag:s16] =	ssyncset.done $0x0  }
0x30: {  	[sflag:s16] =	ssyncadd.s32 $0xFFFFD800  }
.LBB2_1:
0x31: {  	s14 =	rddreg [dreg:$0x5]  }
0x32: {  	s15 =	rddreg [dreg:$0x9]  }
0x33: {  	s19 =	rddreg [dreg:$0xa]  }
0x34: {  	[spmem:s19], [sflag:s15] =	dma.local @p0 [hbm:s14], $0x2800  }
0x35: {  	s14 =	simm.s32 @p0 $0x9  }
0x36: {  	_ =	swait.ge @p0 [sflag:s14], $0x2800  }
0x37: {  	[sflag:s14] =	ssyncset.done @p0 $0x0;
	s15 =	rddreg [dreg:$0x7]  }
0x38: {  	s19 =	rddreg [dreg:$0xb];
	[sflag:s14] =	ssyncadd.s32 @p0 $0xFFFFD800;
	s14 =	simm.s32 @!p1 $0x1FC9  }
0x39: {  	[spmem:s19], [sflag:s14] =	dma.local @!p1 [hbm:s15], $0x1900  }
0x3a: {  	s14 =	simm.s32 @!p1 $0x9  }
0x3b: {  	_ =	swait.ge @!p1 [sflag:s14], $0x1900  }
0x3c: {  	s15 =	rddreg [dreg:$0xc]  }
0x3d: {  	[sflag:s14] =	ssyncset.done @!p1 $0x0;
	s19 =	rddreg [dreg:$0xd]  }
0x3e: {  	[sflag:s14] =	ssyncadd.s32 @!p1 $0xFFFFE700;
	s14 =	rddreg [dreg:$0x6]  }
0x3f: {  	[spmem:s19], [sflag:s15] =	dma.local @!p2 [hbm:s14], $0x2800  }
0x40: {  	s14 =	simm.s32 @!p2 $0x9  }
0x41: {  	_ =	swait.ge @!p2 [sflag:s14], $0x2800  }
0x42: {  	[sflag:s14] =	ssyncset.done @!p2 $0x0  }
0x43: {  	[sflag:s14] =	ssyncadd.s32 @!p2 $0xFFFFD800  }
0x44: {  	[tilespmem:s4], [sflag:$0x9] =	stream.linear.gather [hbm4b:s9+s4], $0x100, $0x38;
	[tilespmem:$0x1C400] =	vst v63  }
0x45: {  	_ =	swait.ge [sflag:s16], $0x100  }
0x46: {  	[sflag:s16] =	ssyncset.done $0x0  }
0x47: {  	[sflag:s16] =	ssyncadd.s32 $0xFFFFFF00  }
0x48: {  	[tilespmem:s18], [sflag:$0x1] =	stream.indirect.gather [hbm4b:s1+s17], $0x80, s4, s17, $0xb8;
	[tilespmem:$0x1C400] =	vst v63  }
0x49: {  	s19 =	rddreg [dreg:$0xe]  }
0x4a: {  	[tilespmem:s20], [sflag:$0x4] =	stream.linear.gather [hbm4b:s19+s4], $0x100, $0x38;
	[tilespmem:$0x1C400] =	vst v63  }
0x4b: {  	[bflag:$0x0] =	sbarrier.arrive $0xFFFF  }
0x4c: {  	_ =	swait.ge [sflag:s26], $0x4000  }
0x4d: {  	[sflag:s26] =	ssyncset.done $0x0  }
0x4e: {  	[sflag:s26] =	ssyncadd.s32 $0xFFFFC000  }
0x4f: {  	[spmem:s3] =	stream.indirect.scatter.add.f32 [tilespmem:s18], [sflag:$0x7], $0x80, s17, s17, $0xb8;
	[tilespmem:$0x1C400] =	vst v63  }
0x50: {  	_ =	swait.ge [sflag:s28], $0x100  }
0x51: {  	[sflag:s28] =	ssyncset.done $0x0  }
0x52: {  	[sflag:s28] =	ssyncadd.s32 $0xFFFFFF00  }
0x53: {  	[tilespmem:s29], [sflag:$0x2] =	stream.indirect.gather [hbm4b:s1+s17], $0x80, s20, s17, $0xb8;
	[tilespmem:$0x1C400] =	vst v63  }
0x54: {  	_ = 	snop  }
0x55: {  	[tilespmem:s30], [sflag:$0x5] =	stream.linear.gather [hbm4b:s21+s4], $0x100, $0x38;
	[tilespmem:$0x1C400] =	vst v63  }
0x56: {  	_ =	swait.ge [sflag:s31], $0x4000  }
0x57: {  	[sflag:s31] =	ssyncset.done $0x0  }
0x58: {  	[sflag:s31] =	ssyncadd.s32 $0xFFFFC000  }
0x59: {  	[spmem:s3] =	stream.indirect.scatter.add.f32 [tilespmem:s29], [sflag:$0x8], $0x80, s2, s17, $0xb8;
	[tilespmem:$0x1C400] =	vst v63  }
0x5a: {  	_ =	swait.ge [sflag:s0], $0x4000  }
0x5b: {  	[sflag:s0] =	ssyncset.done $0x0  }
0x5c: {  	[sflag:s0] =	ssyncadd.s32 $0xFFFFC000  }
0x5d: {  	_ =	swait.ge [sflag:s6], $0x100  }
0x5e: {  	[sflag:s6] =	ssyncset.done $0x0  }
0x5f: {  	[sflag:s6] =	ssyncadd.s32 $0xFFFFFF00  }
0x60: {  	[tilespmem:s18], [sflag:$0x1] =	stream.indirect.gather [hbm4b:s1+s17], $0x80, s30, s17, $0xb8;
	[tilespmem:$0x1C400] =	vst v63  }
0x61: {  	_ = 	snop  }
0x62: {  	[tilespmem:s7], [sflag:$0x6] =	stream.linear.gather [hbm4b:s22+s4], $0x100, $0x38;
	[tilespmem:$0x1C400] =	vst v63  }
0x63: {  	_ =	swait.ge [sflag:s26], $0x4000  }
0x64: {  	[sflag:s26] =	ssyncset.done $0x0  }
0x65: {  	[sflag:s26] =	ssyncadd.s32 $0xFFFFC000  }
0x66: {  	[spmem:s3] =	stream.indirect.scatter.add.f32 [tilespmem:s18], [sflag:$0x7], $0x80, s8, s17, $0xb8;
	[tilespmem:$0x1C400] =	vst v63  }
0x67: {  	_ =	swait.ge [sflag:s10], $0x4000  }
0x68: {  	[sflag:s10] =	ssyncset.done $0x0  }
0x69: {  	[sflag:s10] =	ssyncadd.s32 $0xFFFFC000  }
0x6a: {  	_ =	swait.ge [sflag:s11], $0x100  }
0x6b: {  	[sflag:s11] =	ssyncset.done $0x0  }
0x6c: {  	[sflag:s11] =	ssyncadd.s32 $0xFFFFFF00  }
0x6d: {  	[tilespmem:s29], [sflag:$0x2] =	stream.indirect.gather [hbm4b:s1+s17], $0x80, s7, s17, $0xb8;
	[tilespmem:$0x1C400] =	vst v63  }
0x6e: {  	_ = 	snop  }
0x6f: {  	[tilespmem:s4], [sflag:$0x3] =	stream.linear.gather [hbm4b:s23+s4], $0x100, $0x38;
	[tilespmem:$0x1C400] =	vst v63  }
0x70: {  	_ =	swait.ge [sflag:s31], $0x4000  }
0x71: {  	[sflag:s31] =	ssyncset.done $0x0  }
0x72: {  	[sflag:s31] =	ssyncadd.s32 $0xFFFFC000  }
0x73: {  	[spmem:s3] =	stream.indirect.scatter.add.f32 [tilespmem:s29], [sflag:$0x8], $0x80, s5, s17, $0xb8;
	[tilespmem:$0x1C400] =	vst v63  }
0x74: {  	_ =	swait.ge [sflag:s0], $0x4000  }
0x75: {  	[sflag:s0] =	ssyncset.done $0x0  }
0x76: {  	[sflag:s0] =	ssyncadd.s32 $0xFFFFC000  }
0x77: {  	_ =	swait.ge [sflag:s12], $0x100  }
0x78: {  	[sflag:s12] =	ssyncset.done $0x0  }
0x79: {  	[sflag:s12] =	ssyncadd.s32 $0xFFFFFF00  }
0x7a: {  	[tilespmem:s18], [sflag:$0x1] =	stream.indirect.gather [hbm4b:s1+s17], $0x80, s4, s17, $0xb8;
	[tilespmem:$0x1C400] =	vst v63  }
0x7b: {  	s14 =	simm.s32 $0xFFFFF700  }
0x7c: {  	[tilespmem:s20], [sflag:$0x4] =	stream.linear.gather [hbm4b:s25+s4], $0x100, $0x38;
	[tilespmem:$0x1C400] =	vst v63  }
.LBB2_2:
0x7d: {  	_ =	swait.ge [sflag:s26], $0x4000  }
0x7e: {  	[sflag:s26] =	ssyncset.done $0x0  }
0x7f: {  	[sflag:s26] =	ssyncadd.s32 $0xFFFFC000  }
0x80: {  	[spmem:s3] =	stream.indirect.scatter.add.f32 [tilespmem:s18], [sflag:$0x7], $0x80, s17, s17, $0xb8;
	[tilespmem:$0x1C400] =	vst v63  }
0x81: {  	_ =	swait.ge [sflag:s10], $0x4000  }
0x82: {  	[sflag:s10] =	ssyncset.done $0x0  }
0x83: {  	[sflag:s10] =	ssyncadd.s32 $0xFFFFC000  }
0x84: {  	_ =	swait.ge [sflag:s28], $0x100  }
0x85: {  	[sflag:s28] =	ssyncset.done $0x0  }
0x86: {  	s15 =	sadd.s32 s14, s9;
	[sflag:s28] =	ssyncadd.s32 $0xFFFFFF00  }
0x87: {  	[tilespmem:s29], [sflag:$0x2] =	stream.indirect.gather [hbm4b:s1+s17], $0x80, s20, s17, $0xb8;
	[tilespmem:$0x1C400] =	vst v63  }
0x88: {  	s19 =	sadd.s32 $0x9C0, s15  }
0x89: {  	[tilespmem:s30], [sflag:$0x5] =	stream.linear.gather [hbm4b:s19+s4], $0x100, $0x38;
	[tilespmem:$0x1C400] =	vst v63  }
0x8a: {  	_ =	swait.ge [sflag:s31], $0x4000  }
0x8b: {  	[sflag:s31] =	ssyncset.done $0x0  }
0x8c: {  	[sflag:s31] =	ssyncadd.s32 $0xFFFFC000  }
0x8d: {  	[spmem:s3] =	stream.indirect.scatter.add.f32 [tilespmem:s29], [sflag:$0x8], $0x80, s2, s17, $0xb8;
	[tilespmem:$0x1C400] =	vst v63  }
0x8e: {  	_ =	swait.ge [sflag:s0], $0x4000  }
0x8f: {  	[sflag:s0] =	ssyncset.done $0x0  }
0x90: {  	[sflag:s0] =	ssyncadd.s32 $0xFFFFC000  }
0x91: {  	_ =	swait.ge [sflag:s6], $0x100  }
0x92: {  	[sflag:s6] =	ssyncset.done $0x0  }
0x93: {  	[sflag:s6] =	ssyncadd.s32 $0xFFFFFF00  }
0x94: {  	[tilespmem:s18], [sflag:$0x1] =	stream.indirect.gather [hbm4b:s1+s17], $0x80, s30, s17, $0xb8;
	[tilespmem:$0x1C400] =	vst v63  }
0x95: {  	s19 =	sadd.s32 $0x9E0, s15  }
0x96: {  	[tilespmem:s7], [sflag:$0x6] =	stream.linear.gather [hbm4b:s19+s4], $0x100, $0x38;
	[tilespmem:$0x1C400] =	vst v63  }
0x97: {  	_ =	swait.ge [sflag:s26], $0x4000  }
0x98: {  	[sflag:s26] =	ssyncset.done $0x0  }
0x99: {  	[sflag:s26] =	ssyncadd.s32 $0xFFFFC000  }
0x9a: {  	[spmem:s3] =	stream.indirect.scatter.add.f32 [tilespmem:s18], [sflag:$0x7], $0x80, s8, s17, $0xb8;
	[tilespmem:$0x1C400] =	vst v63  }
0x9b: {  	_ =	swait.ge [sflag:s10], $0x4000  }
0x9c: {  	p3 =	seq.s32 s14, $0x0;
	[sflag:s10] =	ssyncset.done $0x0  }
.Ltmp2:
0x9d: {  	[sflag:s10] =	ssyncadd.s32 $0xFFFFC000;
	(pc) =	sbr.rel @p3 .LBB2_4-.Ltmp2, $4  }
0x9e: {  	_ =	swait.ge [sflag:s11], $0x100  }
0x9f: {  	[sflag:s11] =	ssyncset.done $0x0  }
0xa0: {  	[sflag:s11] =	ssyncadd.s32 $0xFFFFFF00  }
0xa1: {  	[tilespmem:s29], [sflag:$0x2] =	stream.indirect.gather [hbm4b:s1+s17], $0x80, s7, s17, $0xb8;
	[tilespmem:$0x1C400] =	vst v63  }
0xa2: {  	s19 =	sadd.s32 $0xA00, s15  }
0xa3: {  	[tilespmem:s4], [sflag:$0x3] =	stream.linear.gather [hbm4b:s19+s4], $0x100, $0x38;
	[tilespmem:$0x1C400] =	vst v63  }
0xa4: {  	_ =	swait.ge [sflag:s31], $0x4000  }
0xa5: {  	[sflag:s31] =	ssyncset.done $0x0  }
0xa6: {  	[sflag:s31] =	ssyncadd.s32 $0xFFFFC000  }
0xa7: {  	[spmem:s3] =	stream.indirect.scatter.add.f32 [tilespmem:s29], [sflag:$0x8], $0x80, s5, s17, $0xb8;
	[tilespmem:$0x1C400] =	vst v63  }
0xa8: {  	_ =	swait.ge [sflag:s0], $0x4000  }
0xa9: {  	[sflag:s0] =	ssyncset.done $0x0  }
0xaa: {  	[sflag:s0] =	ssyncadd.s32 $0xFFFFC000  }
0xab: {  	_ =	swait.ge [sflag:s12], $0x100  }
.Ltmp3:
0xac: {  	[sflag:s12] =	ssyncset.done $0x0;
	(pc) =	sbr.rel .LBB2_2-.Ltmp3, $4  }
0xad: {  	[sflag:s12] =	ssyncadd.s32 $0xFFFFFF00  }
0xae: {  	[tilespmem:s18], [sflag:$0x1] =	stream.indirect.gather [hbm4b:s1+s17], $0x80, s4, s17, $0xb8;
	[tilespmem:$0x1C400] =	vst v63  }
0xaf: {  	s14 =	sadd.s32 $0x80, s14;
	s19 =	sadd.s32 $0xA20, s15  }
0xb0: {  	[tilespmem:s20], [sflag:$0x4] =	stream.linear.gather [hbm4b:s19+s4], $0x100, $0x38;
	[tilespmem:$0x1C400] =	vst v63  }
.LBB2_5:
0xb1: {  	_ =	sfence.sel $0x180000  }
0xb2: {  	[bflag:$0x0] =	sbarrier.arrive $0xFFFF  }
0xb3: {  	_ =	strace $0x90000047  }
0xb4: {  	s0 =	stileid.u32;
	[bflag:$0x2] =	sbarrier.arrive $0xFFFF  }
0xb5: {  	p0 =	sne.s32 s0, $0x0;
	s0 =	rddreg [dreg:$0x3]  }
0xb6: {  	s0 =	sadd.s32 @!p0 $0x100000, s0  }
0xb7: {  	[sflag:s0] =	ssyncadd.tile.s32 @!p0 $0x1;
	_ =	shalt  }
.Lfunc_end2:
_tile_overlayer_lowered:
.L_overlay_start_2:
0xb8: {  	(tag) =	ssettag $0x2  }
0xb9: {  	s0 =	rddreg [dreg:$0x0];
	s2 =	stileid.u32  }
0xba: {  	s1 =	rddreg [dreg:$0x1];
	p0 =	sne.s32 s2, $0x0  }
0xbb: {  	s3 =	rddreg [dreg:$0x2];
	[bflag:$0x3] =	sbarrier.arrive $0xFFFF;
	s2 =	simm.s32 @!p0 $0x1C09  }
0xbc: {  	[timem:s3], [sflag:s2] =	dma.local @!p0 [hbm:s0], s1  }
0xbd: {  	s0 =	simm.s32 @!p0 $0x9  }
0xbe: {  	_ =	swait.ge @!p0 [sflag:s0], s1  }
0xbf: {  	s1 =	ssub.s32 @!p0 $0x0, s1;
	[sflag:s0] =	ssyncset.done @!p0 $0x0  }
0xc0: {  	[sflag:s0] =	ssyncadd.s32 @!p0 s1  }
0xc1: {  	[bflag:$0x3] =	sbarrier.arrive $0xFFFF  }
0xc2: {  	_ =	shalt  }

// kernel: kernel.9.cloned.1.call-start
scs
__scs_entry_jumppad:
0x0: {  	(pc) =	sbr.rel $0x88, $3  }
0x1: {  	(tag) =	ssettag $0x0;
	lr =	simm.s32 $0x1  }
0x2: {  	[smem:$0x3F95] =	sst lr;
	_ =	strace $0xD0000000  }
0x3: {  	_ = 	snop  }
0x4: {  	_ = 	snop  }
0x5: {  	_ = 	snop  }
0x6: {  	_ = 	snop  }
0x7: {  	_ = 	snop  }
__scs_overlays_trampoline_lowered:
0x8: {  	[smem:$0x3FA4] =	sst s0  }
0x9: {  	[smem:$0x3FA5] =	sst s1  }
0xa: {  	[smem:$0x3FA6] =	sst s2  }
0xb: {  	[smem:$0x3FA7] =	sst s3  }
0xc: {  	[smem:$0x3FA8] =	sst s4  }
0xd: {  	[smem:$0x3FA9] =	sst s5  }
0xe: {  	[smem:$0x3FAA] =	sst s6  }
0xf: {  	[smem:$0x3FAB] =	sst s7  }
0x10: {  	[smem:$0x3FAC] =	sst s8  }
0x11: {  	[smem:$0x3FAD] =	sst s9;
	s0 =	simm.s32 @!p0 $0x0  }
0x12: {  	s1 =	sld [smem:$0x3F93];
	s0 =	simm.s32 @p0 $0x1  }
0x13: {  	[smem:$0x3FAE] =	sst s0;
	s0 =	simm.s32 @!p1 $0x0  }
0x14: {  	s2 =	sld [smem:$0x3F92];
	s0 =	simm.s32 @p1 $0x1  }
0x15: {  	[smem:$0x3FAF] =	sst s0;
	s0 =	simm.s32 @!p2 $0x0  }
0x16: {  	s3 =	sld [smem:$0x3FDB];
	s0 =	simm.s32 @p2 $0x1  }
0x17: {  	s4 =	simm.s32 $0x1BF5;
	[smem:$0x3FB1] =	sst s0  }
0x18: {  	s0 =	sld [smem:$0x3F94];
	_ =	swait.ge [sflag:s4], $0x0  }
0x19: {  	s7 =	sld [smem:$0x3F95]  }
0x1a: {  	s8 =	sadd.s32 $0xFFFFE003, lr  }
0x1b: {  	s9 =	sadd.s32 $0xFFFFFEF7, lr;
	s5 =	simm.s32 $0xFFFFFFFF;
	p2 =	slt.u32 s8, $0xFFFFF086  }
0x1c: {  	p1 =	slt.u32 s9, $0xF7A;
	s5 =	simm.s32 @!p2 $0x0  }
0x1d: {  	s5 =	simm.s32 @p1 $0x1;
	p0 =	seq.s32 s7, s2  }
0x1e: {  	s7 =	smul.u32 @!p0 $0xF7A, s2;
	p2 =	seq.s32 @!p0 s5, $0x0  }
0x1f: {  	s9 =	smul.u32 $0xF7A, s1;
	s8 =	simm.s32 @!p0 $0x1BF5;
	p2 =	por !p2, p0  }
0x20: {  	[sflag:s8] =	ssyncset.s32 @!p0 $0xFFFFF086;
	s6 =	sadd.s32 @!p0 s3, s7;
	s7 =	simm.s32 @!p0 $0x108  }
0x21: {  	s3 =	sadd.s32 s3, s9;
	s6 =	sadd.s32 @!p0 $0x88, s6;
	s7 =	simm.s32 @p2 $0x1082  }
0x22: {  	[simem:s7], [sflag:s8] =	dma.local @!p0 [hbm:s6], $0xF7A  }
0x23: {  	s9 =	sor.u32 $0xD0000000, s2;
	s6 =	simm.s32 $0x108;
	_ =	swait.ge @!p0 [sflag:s8], $0x0  }
0x24: {  	s3 =	sadd.s32 $0x88, s3;
	s6 =	simm.s32 @!p1 $0x1082;
	[sflag:s4] =	ssyncset.s32 $0xFFFFF086  }
0x25: {  	[simem:s6], [sflag:s4] =	dma.local [hbm:s3], $0xF7A  }
0x26: {  	[smem:$0x3F95] =	sst s1;
	(tag) =	ssettag s2;
	_ =	strace s9  }
0x27: {  	s1 =	sld [smem:$0x3FA5]  }
0x28: {  	s2 =	sld [smem:$0x3FA6]  }
0x29: {  	s4 =	sld [smem:$0x3FA8]  }
0x2a: {  	p0 =	seq.s32 s5, $0x0;
	s5 =	sld [smem:$0x3FA9]  }
0x2b: {  	s6 =	sld [smem:$0x3FAA]  }
0x2c: {  	s7 =	sld [smem:$0x3FAB]  }
0x2d: {  	s3 =	simm.s32 $0x108;
	s8 =	sld [smem:$0x3FAC]  }
0x2e: {  	s3 =	simm.s32 @!p0 $0x1082;
	s9 =	sld [smem:$0x3FAD]  }
0x2f: {  	lr =	sadd.s32 s0, s3;
	s0 =	sld [smem:$0x3FA4]  }
0x30: {  	s3 =	sld [smem:$0x3FA7]  }
0x31: {  	[smem:$0x3FB0] =	sst s10  }
0x32: {  	s10 =	sld [smem:$0x3FAE];
	_ =	sdelay $0x3  }
0x33: {  	p0 =	seq.s32 s10, $0x1;
	s10 =	sld [smem:$0x3FB0];
	_ =	sdelay $0x3  }
0x34: {  	[smem:$0x3FB0] =	sst s10  }
0x35: {  	s10 =	sld [smem:$0x3FAF];
	_ =	sdelay $0x3  }
0x36: {  	p1 =	seq.s32 s10, $0x1;
	s10 =	sld [smem:$0x3FB0];
	_ =	sdelay $0x3  }
0x37: {  	[smem:$0x3FB0] =	sst s10  }
0x38: {  	s10 =	sld [smem:$0x3FB1]  }
0x39: {  	_ = 	snop;
	(pc) =	sbr.ind lr, $3  }
0x3a: {  	_ = 	snop  }
0x3b: {  	_ = 	snop  }
0x3c: {  	p2 =	seq.s32 s10, $0x1;
	s10 =	sld [smem:$0x3FB0]  }
0x3d: {  	_ =	shalt  }
0x3e: {  	_ =	shalt  }
0x3f: {  	_ =	shalt  }
0x40: {  	_ =	shalt  }
0x41: {  	_ =	shalt  }
0x42: {  	_ =	shalt  }
0x43: {  	_ =	shalt  }
0x44: {  	_ =	shalt  }
0x45: {  	_ =	shalt  }
0x46: {  	_ =	shalt  }
0x47: {  	_ =	shalt  }
0x48: {  	_ =	shalt  }
0x49: {  	_ =	shalt  }
0x4a: {  	_ =	shalt  }
0x4b: {  	_ =	shalt  }
0x4c: {  	_ =	shalt  }
0x4d: {  	_ =	shalt  }
0x4e: {  	_ =	shalt  }
0x4f: {  	_ =	shalt  }
0x50: {  	_ =	shalt  }
0x51: {  	_ =	shalt  }
0x52: {  	_ =	shalt  }
0x53: {  	_ =	shalt  }
0x54: {  	_ =	shalt  }
0x55: {  	_ =	shalt  }
0x56: {  	_ =	shalt  }
0x57: {  	_ =	shalt  }
0x58: {  	_ =	shalt  }
0x59: {  	_ =	shalt  }
0x5a: {  	_ =	shalt  }
0x5b: {  	_ =	shalt  }
0x5c: {  	_ =	shalt  }
0x5d: {  	_ =	shalt  }
0x5e: {  	_ =	shalt  }
0x5f: {  	_ =	shalt  }
0x60: {  	_ =	shalt  }
0x61: {  	_ =	shalt  }
0x62: {  	_ =	shalt  }
0x63: {  	_ =	shalt  }
0x64: {  	_ =	shalt  }
0x65: {  	_ =	shalt  }
0x66: {  	_ =	shalt  }
0x67: {  	_ =	shalt  }
0x68: {  	_ =	shalt  }
0x69: {  	_ =	shalt  }
0x6a: {  	_ =	shalt  }
0x6b: {  	_ =	shalt  }
0x6c: {  	_ =	shalt  }
0x6d: {  	_ =	shalt  }
0x6e: {  	_ =	shalt  }
0x6f: {  	_ =	shalt  }
0x70: {  	_ =	shalt  }
0x71: {  	_ =	shalt  }
0x72: {  	_ =	shalt  }
0x73: {  	_ =	shalt  }
0x74: {  	_ =	shalt  }
0x75: {  	_ =	shalt  }
0x76: {  	_ =	shalt  }
0x77: {  	_ =	shalt  }
0x78: {  	_ =	shalt  }
0x79: {  	_ =	shalt  }
0x7a: {  	_ =	shalt  }
0x7b: {  	_ =	shalt  }
0x7c: {  	_ =	shalt  }
0x7d: {  	_ =	shalt  }
0x7e: {  	_ =	shalt  }
0x7f: {  	_ =	shalt  }
0x80: {  	_ =	shalt  }
0x81: {  	_ =	shalt  }
0x82: {  	_ =	shalt  }
0x83: {  	_ =	shalt  }
0x84: {  	_ =	shalt  }
0x85: {  	_ =	shalt  }
0x86: {  	_ =	shalt  }
0x87: {  	_ =	shalt  }
.Lfunc_end0:
.L_simem_size_0:
called_computation.1_lowered:
.L_overlay_start_0:
0x88: {  	s2 =	sld [smem:$0x3FD9]  }
0x89: {  	s3 =	sld [smem:$0x3FFE];
	_ =	sdelay $0x1  }
0x8a: {  	s1 =	srdreg.scid  }
0x8b: {  	s0 =	sand.u32 $0x1, s1  }
0x8c: {  	s16 =	sshll.u32 s0, $0xA;
	s2 =	sadd.s32 s3, s2  }
0x8d: {  	s2 =	sadd.s32 s2, s16  }
0x8e: {  	[smem:$0x3FBC] =	sst s2  }
0x8f: {  	_ = 	snop  }
0x90: {  	(tm) =	ssettm $0x1  }
0x91: {  	s17 =	sld [smem:$0x3FFB];
	_ =	sdelay $0x3  }
0x92: {  	_ =	strace s17  }
0x93: {  	s2 =	sld [smem:$0x3FFC];
	_ =	sdelay $0x3  }
0x94: {  	_ =	strace s2  }
0x95: {  	s2 =	sld [smem:$0x3FFD];
	_ =	sdelay $0x3  }
0x96: {  	_ =	strace s2  }
0x97: {  	_ =	strace $0x8FFFFFFF  }
0x98: {  	s18 =	sld [smem:$0x3FDB];
	_ =	sdelay $0x1  }
0x99: {  	s19 =	simm.s32 $_scs_section_size  }
0x9a: {  	s4 =	simm.s32 $_size__tile_overlayer_lowered;
	s5 =	simm.s32 $_tile_overlayer_lowered  }
0x9b: {  	s22 =	simm.s32 $0x1BFF;
	s21 =	sshll.u32 s5, $0x1;
	s2 =	sadd.s32 s19, s18  }
0x9c: {  	s6 =	simm.s32 $0x0;
	s20 =	sshll.u32 s4, $0x1;
	s4 =	sadd.s32 s21, s2  }
0x9d: {  	[timem:s6], [sflag:s22] =	dma.local [hbm:s4], s20  }
0x9e: {  	_ =	swait.ge [sflag:s22], s20  }
0x9f: {  	s3 =	ssub.s32 $0x0, s20;
	[sflag:s22] =	ssyncset.done $0x0  }
0xa0: {  	[sflag:s22] =	ssyncadd.s32 s3;
	_ =	sdelay $0x1  }
0xa1: {  	s23 =	simm.s32 $0x1B8B  }
0xa2: {  	_ =	swait.ge [sflag:s23], $0x1  }
0xa3: {  	[sflag:s23] =	ssyncset.done $0x0  }
0xa4: {  	s25 =	simm.s32 $0x1B8E;
	s24 =	sld [smem:$0x3FFE];
	[sflag:s23] =	ssyncadd.s32 $0xFFFFFFFF  }
0xa5: {  	s26 =	simm.s32 $execute0_lowered;
	[smem:$0x3FD2] =	sst s25  }
0xa6: {  	s4 =	sshll.u32 s26, $0x1;
	_ =	strace $0x80000049;
	[dreg:$0x1] =	wrdreg $0xFFFFFFFF  }
0xa7: {  	s28 =	simm.s32 $_size_execute0_lowered;
	s2 =	sadd.s32 s2, s4;
	[dreg:$0x0] =	wrdreg $0x0  }
0xa8: {  	s4 =	sshll.u32 s28, $0x1;
	[dreg:$0x2] =	wrdreg s2  }
0xa9: {  	[dreg:$0x3] =	wrdreg s4  }
0xaa: {  	[dreg:$0x4] =	wrdreg $0xC0  }
0xab: {  	_ =	task [dreg:s6], $0x5FFFF  }
0xac: {  	[dreg:$0x1] =	wrdreg $0xFFFFFFFF  }
0xad: {  	[dreg:$0x0] =	wrdreg $0x60  }
0xae: {  	[dreg:$0x2] =	wrdreg s24  }
0xaf: {  	[dreg:$0x3] =	wrdreg $0x84000  }
0xb0: {  	[dreg:$0x4] =	wrdreg $0x9  }
0xb1: {  	_ =	task.clear_ibuf [dreg:s6], $0x5FFFF;
	_ =	strace $0x90000049  }
0xb2: {  	s29 =	simm.s32 $0x9;
	_ =	strace $0x8000004B  }
0xb3: {  	_ =	swait.ge [sflag:s29], $0x1  }
0xb4: {  	[sflag:s29] =	ssyncadd.s32 $0xFFFFFFFF  }
0xb5: {  	_ =	strace $0x9000004B  }
0xb6: {  	_ =	sfence  }
0xb7: {  	s30 =	sld [smem:$0x0];
	_ =	sdelay $0x2  }
0xb8: {  	s31 =	sshll.u32 s1, $0xD;
	s1 =	sshrl.u32 s1, $0x2  }
0xb9: {  	s3 =	sand.u32 $0x4000, s31;
	s1 =	sadd.s32 s1, s30  }
0xba: {  	s0 =	sor.u32 s3, s0;
	s1 =	sshll.u32 s1, $0x11  }
0xbb: {  	s0 =	sor.u32 s1, s0  }
0xbc: {  	s0 =	sadd.s32 $0x8F2B, s0  }
0xbd: {  	[sflag:s0] =	ssyncadd.remote.s32 $0x1  }
0xbe: {  	_ =	sfence.sel $0xFFFF  }
0xbf: {  	[dreg:$0x0] =	wrdreg $0xFFFFFFFF;
	(pc) =	sbr.abs _section_cstart, $3  }
0xc0: {  	[dreg:$0x1] =	wrdreg $0xFFFFFFFF  }
0xc1: {  	_ =	task.clear_ibuf [dreg:s6], $0x2FFFF;
	_ =	strace $0x9FFFFFFF  }
0xc2: {  	(tm) =	ssettm $0x7FFFFFFF  }
0xc3: {  	_ =	shalt  }
tec
execute0_lowered:
.L_overlay_start_1:
0x0: {  	(tag) =	ssettag $0x1  }
0x1: {  	s0 =	srdreg.scid  }
0x2: {  	s12 =	stileid.u32;
	s5 =	rddreg [dreg:$0x0]  }
0x3: {  	s2 =	rddreg [dreg:$0x1];
	s3 =	simm.s32 $0x0;
	s16 =	simm.s32 $0x9  }
0x4: {  	s17 =	simm.s32 $0x80;
	s18 =	simm.s32 $0x400;
	s20 =	simm.s32 $0x100  }
0x5: {  	s28 =	simm.s32 $0x4;
	s29 =	simm.s32 $0x4400;
	s30 =	simm.s32 $0x200  }
0x6: {  	s31 =	simm.s32 $0x2;
	s13 =	simm.s32 $0x0;
	s0 =	sand.u32 $0x1, s0  }
0x7: {  	s1 =	sshll.u32 s12, $0x1;
	s6 =	smul.u32 $0x2800, s12;
	[smem:$0x7FF] =	sst s3  }
0x8: {  	s4 =	sadd.s32 $0x3D400, s5;
	s8 =	smul.u32 $0x50000, s12;
	s1 =	sor.u32 s0, s1  }
0x9: {  	s7 =	smul.u32 $0x28000, s0;
	_ =	strace $0x8000004A;
	s10 =	ssub.s32 $0x2, s0  }
0xa: {  	p0 =	sne.s32 s0, $0x0;
	s1 =	smul.u32 $0xA00, s1;
	s9 =	sadd.s32 s6, s5  }
0xb: {  	s11 =	sshrl.u32 s10, $0x1;
	s8 =	sshrl.u32 s8, $0x2;
	s23 =	sadd.s32 s4, s6  }
0xc: {  	s0 =	sshll.u32 @p0 s12, $0x6;
	p2 =	seq.s32 @!p0 s12, $0xF;
	s7 =	sadd.s32 s7, s5  }
0xd: {  	s10 =	ssub.s32 s10, s11;
	s11 =	sadd.s32 s8, s2;
	s22 =	sadd.s32 $0x15400, s9  }
0xe: {  	[dreg:$0x5] =	wrdreg s23;
	s8 =	sadd.s32 $0x12C000, s2;
	s0 =	sor.u32 @p0 $0x1C09, s0  }
0xf: {  	p1 =	por !p2, p0;
	p2 =	por p2, p0;
	[dreg:$0x4] =	wrdreg s22  }
0x10: {  	s1 =	sadd.s32 s1, s5;
	s5 =	sadd.s32 $0x62C00, s5;
	[dreg:$0x8] =	wrdreg s0  }
0x11: {  	s24 =	sadd.s32 $0x64600, s7;
	s25 =	smax.u32 s10, $0x1;
	[dreg:$0x3] =	wrdreg s11  }
0x12: {  	s0 =	sshrl.u32 @p0 s11, $0x3;
	s7 =	simm.s32 $0x300;
	[dreg:$0x6] =	wrdreg s5  }
0x13: {  	s10 =	simm.s32 $0x8;
	s9 =	sadd.s32 $0x1400, s1;
	[dreg:$0x7] =	wrdreg s25  }
0x14: {  	[dreg:$0x9] =	wrdreg s0;
	s0 =	sshrl.u32 @!p1 s8, $0x3;
	s24 =	sadd.s32 s6, s24  }
0x15: {  	s1 =	simm.s32 $0x180;
	s6 =	simm.s32 $0x5;
	s8 =	simm.s32 $0x280  }
0x16: {  	s5 =	simm.s32 $0x380;
	[dreg:$0xa] =	wrdreg s0;
	s0 =	sshll.u32 @!p2 s12, $0x6  }
.Ltmp0:
0x17: {  	s26 =	sadd.s32 $0x20, s9;
	s21 =	sadd.s32 $0x40, s9;
	(pc) =	sbr.rel .LBB2_1-.Ltmp0, $4  }
0x18: {  	s22 =	sadd.s32 $0x60, s9;
	s23 =	sadd.s32 $0x80, s9;
	s25 =	sadd.s32 $0xA0, s9  }
0x19: {  	s12 =	simm.s32 $0x3;
	s0 =	sor.u32 @!p2 $0x1C09, s0;
	[dreg:$0xd] =	wrdreg s26  }
0x1a: {  	s26 =	simm.s32 $0x1;
	[dreg:$0xb] =	wrdreg s0;
	s0 =	sshrl.u32 @!p2 s11, $0x3  }
0x1b: {  	s11 =	simm.s32 $0x6;
	[dreg:$0xc] =	wrdreg s0;
	s0 =	simm.s32 $0x7  }
.LBB2_4:
0x1c: {  	_ =	swait.ge [sflag:s31], $0x4000  }
0x1d: {  	[sflag:s31] =	ssyncset.done $0x0  }
0x1e: {  	[sflag:s31] =	ssyncadd.s32 $0xFFFFC000  }
0x1f: {  	[spmem:s2] =	stream.indirect.scatter.add.f32 [tilespmem:s29], [sflag:$0x8], $0x80, s5, s17, $0xb8;
	[tilespmem:$0x1C400] =	vst v63  }
0x20: {  	_ =	swait.ge [sflag:s0], $0x4000  }
0x21: {  	[sflag:s0] =	ssyncset.done $0x0  }
0x22: {  	[sflag:s0] =	ssyncadd.s32 $0xFFFFC000  }
0x23: {  	_ =	swait.ge [sflag:s10], $0x4000  }
0x24: {  	[sflag:s10] =	ssyncset.done $0x0  }
0x25: {  	[sflag:s10] =	ssyncadd.s32 $0xFFFFC000  }
0x26: {  	s14 =	stileid.u32;
	[bflag:$0x0] =	sbarrier.arrive $0xFFFF  }
0x27: {  	s14 =	sshll.u32 s14, $0x6;
	s15 =	rddreg [dreg:$0x3]  }
0x28: {  	s14 =	sor.u32 $0x1C09, s14;
	s15 =	sshrl.u32 s15, $0x3  }
0x29: {  	[hbm:s24], [sflag:s14] =	dma.local [spmem:s15], $0x2800  }
0x2a: {  	_ =	swait.ge [sflag:s16], $0x2800  }
0x2b: {  	s13 =	sadd.s32 $0x1, s13;
	s19 =	rddreg [dreg:$0x7]  }
0x2c: {  	p3 =	sne.s32 s13, s19  }
.Ltmp1:
0x2d: {  	_ = 	snop;
	(pc) =	sbr.rel @!p3 .LBB2_5-.Ltmp1, $3  }
0x2e: {  	_ =	sdelay $0x1  }
0x2f: {  	[sflag:s16] =	ssyncset.done $0x0  }
0x30: {  	[sflag:s16] =	ssyncadd.s32 $0xFFFFD800  }
.LBB2_1:
0x31: {  	s14 =	rddreg [dreg:$0x4]  }
0x32: {  	s15 =	rddreg [dreg:$0x8]  }
0x33: {  	s19 =	rddreg [dreg:$0x9]  }
0x34: {  	[spmem:s19], [sflag:s15] =	dma.local @p0 [hbm:s14], $0x2800  }
0x35: {  	s14 =	simm.s32 @p0 $0x9  }
0x36: {  	_ =	swait.ge @p0 [sflag:s14], $0x2800  }
0x37: {  	[sflag:s14] =	ssyncset.done @p0 $0x0;
	s15 =	rddreg [dreg:$0x6]  }
0x38: {  	s19 =	rddreg [dreg:$0xa];
	[sflag:s14] =	ssyncadd.s32 @p0 $0xFFFFD800;
	s14 =	simm.s32 @!p1 $0x1FC9  }
0x39: {  	[spmem:s19], [sflag:s14] =	dma.local @!p1 [hbm:s15], $0x1900  }
0x3a: {  	s14 =	simm.s32 @!p1 $0x9  }
0x3b: {  	_ =	swait.ge @!p1 [sflag:s14], $0x1900  }
0x3c: {  	s15 =	rddreg [dreg:$0xb]  }
0x3d: {  	[sflag:s14] =	ssyncset.done @!p1 $0x0;
	s19 =	rddreg [dreg:$0xc]  }
0x3e: {  	[sflag:s14] =	ssyncadd.s32 @!p1 $0xFFFFE700;
	s14 =	rddreg [dreg:$0x5]  }
0x3f: {  	[spmem:s19], [sflag:s15] =	dma.local @!p2 [hbm:s14], $0x2800  }
0x40: {  	s14 =	simm.s32 @!p2 $0x9  }
0x41: {  	_ =	swait.ge @!p2 [sflag:s14], $0x2800  }
0x42: {  	[sflag:s14] =	ssyncset.done @!p2 $0x0  }
0x43: {  	[sflag:s14] =	ssyncadd.s32 @!p2 $0xFFFFD800  }
0x44: {  	[tilespmem:s3], [sflag:$0x9] =	stream.linear.gather [hbm4b:s9+s3], $0x100, $0x38;
	[tilespmem:$0x1C400] =	vst v63  }
0x45: {  	_ =	swait.ge [sflag:s16], $0x100  }
0x46: {  	[sflag:s16] =	ssyncset.done $0x0  }
0x47: {  	[sflag:s16] =	ssyncadd.s32 $0xFFFFFF00  }
0x48: {  	[tilespmem:s18], [sflag:$0x1] =	stream.indirect.gather [hbm4b:s4+s17], $0x80, s3, s17, $0xb8;
	[tilespmem:$0x1C400] =	vst v63  }
0x49: {  	s19 =	rddreg [dreg:$0xd]  }
0x4a: {  	[tilespmem:s20], [sflag:$0x4] =	stream.linear.gather [hbm4b:s19+s3], $0x100, $0x38;
	[tilespmem:$0x1C400] =	vst v63  }
0x4b: {  	[bflag:$0x0] =	sbarrier.arrive $0xFFFF  }
0x4c: {  	_ =	swait.ge [sflag:s26], $0x4000  }
0x4d: {  	[sflag:s26] =	ssyncset.done $0x0  }
0x4e: {  	[sflag:s26] =	ssyncadd.s32 $0xFFFFC000  }
0x4f: {  	[spmem:s2] =	stream.indirect.scatter.add.f32 [tilespmem:s18], [sflag:$0x7], $0x80, s17, s17, $0xb8;
	[tilespmem:$0x1C400] =	vst v63  }
0x50: {  	_ =	swait.ge [sflag:s28], $0x100  }
0x51: {  	[sflag:s28] =	ssyncset.done $0x0  }
0x52: {  	[sflag:s28] =	ssyncadd.s32 $0xFFFFFF00  }
0x53: {  	[tilespmem:s29], [sflag:$0x2] =	stream.indirect.gather [hbm4b:s4+s17], $0x80, s20, s17, $0xb8;
	[tilespmem:$0x1C400] =	vst v63  }
0x54: {  	_ = 	snop  }
0x55: {  	[tilespmem:s30], [sflag:$0x5] =	stream.linear.gather [hbm4b:s21+s3], $0x100, $0x38;
	[tilespmem:$0x1C400] =	vst v63  }
0x56: {  	_ =	swait.ge [sflag:s31], $0x4000  }
0x57: {  	[sflag:s31] =	ssyncset.done $0x0  }
0x58: {  	[sflag:s31] =	ssyncadd.s32 $0xFFFFC000  }
0x59: {  	[spmem:s2] =	stream.indirect.scatter.add.f32 [tilespmem:s29], [sflag:$0x8], $0x80, s1, s17, $0xb8;
	[tilespmem:$0x1C400] =	vst v63  }
0x5a: {  	_ =	swait.ge [sflag:s0], $0x4000  }
0x5b: {  	[sflag:s0] =	ssyncset.done $0x0  }
0x5c: {  	[sflag:s0] =	ssyncadd.s32 $0xFFFFC000  }
0x5d: {  	_ =	swait.ge [sflag:s6], $0x100  }
0x5e: {  	[sflag:s6] =	ssyncset.done $0x0  }
0x5f: {  	[sflag:s6] =	ssyncadd.s32 $0xFFFFFF00  }
0x60: {  	[tilespmem:s18], [sflag:$0x1] =	stream.indirect.gather [hbm4b:s4+s17], $0x80, s30, s17, $0xb8;
	[tilespmem:$0x1C400] =	vst v63  }
0x61: {  	_ = 	snop  }
0x62: {  	[tilespmem:s7], [sflag:$0x6] =	stream.linear.gather [hbm4b:s22+s3], $0x100, $0x38;
	[tilespmem:$0x1C400] =	vst v63  }
0x63: {  	_ =	swait.ge [sflag:s26], $0x4000  }
0x64: {  	[sflag:s26] =	ssyncset.done $0x0  }
0x65: {  	[sflag:s26] =	ssyncadd.s32 $0xFFFFC000  }
0x66: {  	[spmem:s2] =	stream.indirect.scatter.add.f32 [tilespmem:s18], [sflag:$0x7], $0x80, s8, s17, $0xb8;
	[tilespmem:$0x1C400] =	vst v63  }
0x67: {  	_ =	swait.ge [sflag:s10], $0x4000  }
0x68: {  	[sflag:s10] =	ssyncset.done $0x0  }
0x69: {  	[sflag:s10] =	ssyncadd.s32 $0xFFFFC000  }
0x6a: {  	_ =	swait.ge [sflag:s11], $0x100  }
0x6b: {  	[sflag:s11] =	ssyncset.done $0x0  }
0x6c: {  	[sflag:s11] =	ssyncadd.s32 $0xFFFFFF00  }
0x6d: {  	[tilespmem:s29], [sflag:$0x2] =	stream.indirect.gather [hbm4b:s4+s17], $0x80, s7, s17, $0xb8;
	[tilespmem:$0x1C400] =	vst v63  }
0x6e: {  	_ = 	snop  }
0x6f: {  	[tilespmem:s3], [sflag:$0x3] =	stream.linear.gather [hbm4b:s23+s3], $0x100, $0x38;
	[tilespmem:$0x1C400] =	vst v63  }
0x70: {  	_ =	swait.ge [sflag:s31], $0x4000  }
0x71: {  	[sflag:s31] =	ssyncset.done $0x0  }
0x72: {  	[sflag:s31] =	ssyncadd.s32 $0xFFFFC000  }
0x73: {  	[spmem:s2] =	stream.indirect.scatter.add.f32 [tilespmem:s29], [sflag:$0x8], $0x80, s5, s17, $0xb8;
	[tilespmem:$0x1C400] =	vst v63  }
0x74: {  	_ =	swait.ge [sflag:s0], $0x4000  }
0x75: {  	[sflag:s0] =	ssyncset.done $0x0  }
0x76: {  	[sflag:s0] =	ssyncadd.s32 $0xFFFFC000  }
0x77: {  	_ =	swait.ge [sflag:s12], $0x100  }
0x78: {  	[sflag:s12] =	ssyncset.done $0x0  }
0x79: {  	[sflag:s12] =	ssyncadd.s32 $0xFFFFFF00  }
0x7a: {  	[tilespmem:s18], [sflag:$0x1] =	stream.indirect.gather [hbm4b:s4+s17], $0x80, s3, s17, $0xb8;
	[tilespmem:$0x1C400] =	vst v63  }
0x7b: {  	s14 =	simm.s32 $0xFFFFF700  }
0x7c: {  	[tilespmem:s20], [sflag:$0x4] =	stream.linear.gather [hbm4b:s25+s3], $0x100, $0x38;
	[tilespmem:$0x1C400] =	vst v63  }
.LBB2_2:
0x7d: {  	_ =	swait.ge [sflag:s26], $0x4000  }
0x7e: {  	[sflag:s26] =	ssyncset.done $0x0  }
0x7f: {  	[sflag:s26] =	ssyncadd.s32 $0xFFFFC000  }
0x80: {  	[spmem:s2] =	stream.indirect.scatter.add.f32 [tilespmem:s18], [sflag:$0x7], $0x80, s17, s17, $0xb8;
	[tilespmem:$0x1C400] =	vst v63  }
0x81: {  	_ =	swait.ge [sflag:s10], $0x4000  }
0x82: {  	[sflag:s10] =	ssyncset.done $0x0  }
0x83: {  	[sflag:s10] =	ssyncadd.s32 $0xFFFFC000  }
0x84: {  	_ =	swait.ge [sflag:s28], $0x100  }
0x85: {  	[sflag:s28] =	ssyncset.done $0x0  }
0x86: {  	s15 =	sadd.s32 s14, s9;
	[sflag:s28] =	ssyncadd.s32 $0xFFFFFF00  }
0x87: {  	[tilespmem:s29], [sflag:$0x2] =	stream.indirect.gather [hbm4b:s4+s17], $0x80, s20, s17, $0xb8;
	[tilespmem:$0x1C400] =	vst v63  }
0x88: {  	s19 =	sadd.s32 $0x9C0, s15  }
0x89: {  	[tilespmem:s30], [sflag:$0x5] =	stream.linear.gather [hbm4b:s19+s3], $0x100, $0x38;
	[tilespmem:$0x1C400] =	vst v63  }
0x8a: {  	_ =	swait.ge [sflag:s31], $0x4000  }
0x8b: {  	[sflag:s31] =	ssyncset.done $0x0  }
0x8c: {  	[sflag:s31] =	ssyncadd.s32 $0xFFFFC000  }
0x8d: {  	[spmem:s2] =	stream.indirect.scatter.add.f32 [tilespmem:s29], [sflag:$0x8], $0x80, s1, s17, $0xb8;
	[tilespmem:$0x1C400] =	vst v63  }
0x8e: {  	_ =	swait.ge [sflag:s0], $0x4000  }
0x8f: {  	[sflag:s0] =	ssyncset.done $0x0  }
0x90: {  	[sflag:s0] =	ssyncadd.s32 $0xFFFFC000  }
0x91: {  	_ =	swait.ge [sflag:s6], $0x100  }
0x92: {  	[sflag:s6] =	ssyncset.done $0x0  }
0x93: {  	[sflag:s6] =	ssyncadd.s32 $0xFFFFFF00  }
0x94: {  	[tilespmem:s18], [sflag:$0x1] =	stream.indirect.gather [hbm4b:s4+s17], $0x80, s30, s17, $0xb8;
	[tilespmem:$0x1C400] =	vst v63  }
0x95: {  	s19 =	sadd.s32 $0x9E0, s15  }
0x96: {  	[tilespmem:s7], [sflag:$0x6] =	stream.linear.gather [hbm4b:s19+s3], $0x100, $0x38;
	[tilespmem:$0x1C400] =	vst v63  }
0x97: {  	_ =	swait.ge [sflag:s26], $0x4000  }
0x98: {  	[sflag:s26] =	ssyncset.done $0x0  }
0x99: {  	[sflag:s26] =	ssyncadd.s32 $0xFFFFC000  }
0x9a: {  	[spmem:s2] =	stream.indirect.scatter.add.f32 [tilespmem:s18], [sflag:$0x7], $0x80, s8, s17, $0xb8;
	[tilespmem:$0x1C400] =	vst v63  }
0x9b: {  	_ =	swait.ge [sflag:s10], $0x4000  }
0x9c: {  	p3 =	seq.s32 s14, $0x0;
	[sflag:s10] =	ssyncset.done $0x0  }
.Ltmp2:
0x9d: {  	[sflag:s10] =	ssyncadd.s32 $0xFFFFC000;
	(pc) =	sbr.rel @p3 .LBB2_4-.Ltmp2, $4  }
0x9e: {  	_ =	swait.ge [sflag:s11], $0x100  }
0x9f: {  	[sflag:s11] =	ssyncset.done $0x0  }
0xa0: {  	[sflag:s11] =	ssyncadd.s32 $0xFFFFFF00  }
0xa1: {  	[tilespmem:s29], [sflag:$0x2] =	stream.indirect.gather [hbm4b:s4+s17], $0x80, s7, s17, $0xb8;
	[tilespmem:$0x1C400] =	vst v63  }
0xa2: {  	s19 =	sadd.s32 $0xA00, s15  }
0xa3: {  	[tilespmem:s3], [sflag:$0x3] =	stream.linear.gather [hbm4b:s19+s3], $0x100, $0x38;
	[tilespmem:$0x1C400] =	vst v63  }
0xa4: {  	_ =	swait.ge [sflag:s31], $0x4000  }
0xa5: {  	[sflag:s31] =	ssyncset.done $0x0  }
0xa6: {  	[sflag:s31] =	ssyncadd.s32 $0xFFFFC000  }
0xa7: {  	[spmem:s2] =	stream.indirect.scatter.add.f32 [tilespmem:s29], [sflag:$0x8], $0x80, s5, s17, $0xb8;
	[tilespmem:$0x1C400] =	vst v63  }
0xa8: {  	_ =	swait.ge [sflag:s0], $0x4000  }
0xa9: {  	[sflag:s0] =	ssyncset.done $0x0  }
0xaa: {  	[sflag:s0] =	ssyncadd.s32 $0xFFFFC000  }
0xab: {  	_ =	swait.ge [sflag:s12], $0x100  }
.Ltmp3:
0xac: {  	[sflag:s12] =	ssyncset.done $0x0;
	(pc) =	sbr.rel .LBB2_2-.Ltmp3, $4  }
0xad: {  	[sflag:s12] =	ssyncadd.s32 $0xFFFFFF00  }
0xae: {  	[tilespmem:s18], [sflag:$0x1] =	stream.indirect.gather [hbm4b:s4+s17], $0x80, s3, s17, $0xb8;
	[tilespmem:$0x1C400] =	vst v63  }
0xaf: {  	s14 =	sadd.s32 $0x80, s14;
	s19 =	sadd.s32 $0xA20, s15  }
0xb0: {  	[tilespmem:s20], [sflag:$0x4] =	stream.linear.gather [hbm4b:s19+s3], $0x100, $0x38;
	[tilespmem:$0x1C400] =	vst v63  }
.LBB2_5:
0xb1: {  	_ =	sfence.sel $0x180000  }
0xb2: {  	[bflag:$0x0] =	sbarrier.arrive $0xFFFF  }
0xb3: {  	_ =	strace $0x9000004A  }
0xb4: {  	s0 =	stileid.u32;
	[bflag:$0x2] =	sbarrier.arrive $0xFFFF  }
0xb5: {  	p0 =	sne.s32 s0, $0x0;
	s0 =	rddreg [dreg:$0x2]  }
0xb6: {  	s0 =	sadd.s32 @!p0 $0x100000, s0  }
0xb7: {  	[sflag:s0] =	ssyncadd.tile.s32 @!p0 $0x1;
	_ =	shalt  }
.Lfunc_end2:
_tile_overlayer_lowered:
.L_overlay_start_2:
0xb8: {  	(tag) =	ssettag $0x2  }
0xb9: {  	s0 =	rddreg [dreg:$0x0];
	s2 =	stileid.u32  }
0xba: {  	s1 =	rddreg [dreg:$0x1];
	p0 =	sne.s32 s2, $0x0  }
0xbb: {  	s3 =	rddreg [dreg:$0x2];
	[bflag:$0x3] =	sbarrier.arrive $0xFFFF;
	s2 =	simm.s32 @!p0 $0x1C09  }
0xbc: {  	[timem:s3], [sflag:s2] =	dma.local @!p0 [hbm:s0], s1  }
0xbd: {  	s0 =	simm.s32 @!p0 $0x9  }
0xbe: {  	_ =	swait.ge @!p0 [sflag:s0], s1  }
0xbf: {  	s1 =	ssub.s32 @!p0 $0x0, s1;
	[sflag:s0] =	ssyncset.done @!p0 $0x0  }
0xc0: {  	[sflag:s0] =	ssyncadd.s32 @!p0 s1  }
0xc1: {  	[bflag:$0x3] =	sbarrier.arrive $0xFFFF  }
0xc2: {  	_ =	shalt  }

</sc_bundles>
